<compile_context>
chip_gen: v7x
topology: tpu7x:2x2x1
jax: 0.10.2.dev20260603
libtpu: 0.0.44.dev20260713+nightly
codegen_flags: <defaults>
</compile_context>

<pallas_src>
import jax
import jax.numpy as jnp
from jax import lax
from jax.experimental import pallas as pl
from jax.experimental.pallas import tpu as pltpu
from jax.experimental.pallas import tpu_sc as plsc

_N = 4096
_R_SC = 256
_R_TC = _N - _R_SC
_TC_BLK = 256

_NC = 2
_NS = 16
_NW = _NC * _NS
_ROWS_W = _R_SC // _NW
_CR = 4
_NCHUNK = _ROWS_W // _CR
_NBUF = 2
_NPHI = (_N + 1) // 3
_FULLV = _NPHI // 16
_TAIL = _NPHI - _FULLV * 16


def _sc_body(shift_hbm, in_hbm, out_hbm, shift_v, *bufs_and_sems):
    bufs = bufs_and_sems[:_NBUF]
    sem_in, sem_out = bufs_and_sems[_NBUF], bufs_and_sems[_NBUF + 1]
    wid = lax.axis_index("s") * _NC + lax.axis_index("c")
    row0 = _R_TC + wid * _ROWS_W

    pltpu.sync_copy(shift_hbm, shift_v)
    shift = shift_v[...]
    lane = lax.iota(jnp.int32, 16)
    col0 = 1 + 3 * lane
    tail_mask = lane < _TAIL

    def in_slice(kk):
        return in_hbm.at[pl.ds(row0 + kk * _CR, _CR), :]

    def out_slice(kk):
        return out_hbm.at[pl.ds(wid * _ROWS_W + kk * _CR, _CR), :]

    def start_in(kk, b):
        pltpu.async_copy(in_slice(kk), bufs[b], sem_in.at[b])

    def wait_in(kk, b):
        pltpu.make_async_copy(in_slice(kk), bufs[b], sem_in.at[b]).wait()

    def start_out(kk, b):
        pltpu.async_copy(bufs[b], out_slice(kk), sem_out.at[b])

    def wait_out(kk, b):
        pltpu.make_async_copy(bufs[b], out_slice(kk), sem_out.at[b]).wait()

    def transform(x):
        t = (x + shift) - 1.0
        return jnp.where(t > 1.0, t - 2.0, t)

    def process(buf):
        for r in range(_CR):
            rowv = jnp.full((16,), r, jnp.int32)

            @pl.loop(0, _FULLV, init_carry=col0)
            def _(v, col):
                x = plsc.load_gather(buf, [rowv, col])
                plsc.store_scatter(buf, [rowv, col], transform(x))
                return col + 48

            colt = col0 + 48 * _FULLV
            x = plsc.load_gather(buf, [rowv, colt], mask=tail_mask)
            plsc.store_scatter(buf, [rowv, colt], transform(x), mask=tail_mask)

    for b in range(_NBUF):
        start_in(b, b)

    for kk in range(_NBUF):
        if kk + 1 >= _NBUF and kk + 1 < _NCHUNK:
            wait_out(kk + 1 - _NBUF, (kk + 1) % _NBUF)
            start_in(kk + 1, (kk + 1) % _NBUF)
        wait_in(kk, kk % _NBUF)
        process(bufs[kk % _NBUF])
        start_out(kk, kk % _NBUF)

    def steady(g, _):
        for b in range(_NBUF):
            kk = g * _NBUF + b
            b_next = (b + 1) % _NBUF
            wait_out(kk + 1 - _NBUF, b_next)
            start_in(kk + 1, b_next)
            wait_in(kk, b)
            process(bufs[b])
            start_out(kk, b)
        return 0

    if (_NCHUNK - 1) // _NBUF > 1:
        lax.fori_loop(1, (_NCHUNK - 1) // _NBUF, steady, 0)

    for kk in range(max(_NBUF, _NBUF * ((_NCHUNK - 1) // _NBUF)), _NCHUNK):
        if _NBUF <= kk + 1 < _NCHUNK:
            wait_out(kk + 1 - _NBUF, (kk + 1) % _NBUF)
            start_in(kk + 1, (kk + 1) % _NBUF)
        wait_in(kk, kk % _NBUF)
        process(bufs[kk % _NBUF])
        start_out(kk, kk % _NBUF)

    for kk in range(max(_NCHUNK - _NBUF, 0), _NCHUNK):
        wait_out(kk, kk % _NBUF)


_TC_SPLIT = _R_TC // _TC_BLK


def _tc_block_kernel(shift_ref, x_ref, o_ref):
    x = x_ref[...]
    shift = shift_ref[0, 0]
    col = jax.lax.broadcasted_iota(jnp.int32, x.shape, 1)
    mask = (col % 3) == 1
    t = (x + shift) - 1.0
    t = jnp.where(t > 1.0, t - 2.0, t)
    o_ref[...] = jnp.where(mask, t, x)


def _merge_kernel(sc_ref, full_ref, o_ref):
    o_ref[...] = sc_ref[...]


def kernel(input, noise):
    shift11 = (noise * 2.0).reshape(1, 1)
    tc_full = pl.pallas_call(
        _tc_block_kernel,
        grid=(_TC_SPLIT,),
        in_specs=[
            pl.BlockSpec(memory_space=pltpu.SMEM),
            pl.BlockSpec((_TC_BLK, _N), lambda i: (i, 0)),
        ],
        out_specs=pl.BlockSpec((_TC_BLK, _N), lambda i: (i, 0)),
        out_shape=jax.ShapeDtypeStruct((_N, _N), jnp.float32),
        compiler_params=pltpu.CompilerParams(
            dimension_semantics=("parallel",),
        ),
    )(shift11, input)

    shift16 = jnp.broadcast_to(noise * 2.0, (16,))
    sc_out = pl.kernel(
        _sc_body,
        out_type=jax.ShapeDtypeStruct((_R_SC, _N), jnp.float32),
        mesh=plsc.VectorSubcoreMesh(
            core_axis_name="c", subcore_axis_name="s",
            num_cores=_NC, num_subcores=_NS,
        ),
        compiler_params=pltpu.CompilerParams(needs_layout_passes=False),
        scratch_types=[pltpu.VMEM((16,), jnp.float32)]
        + [pltpu.VMEM((_CR, _N), jnp.float32) for _ in range(_NBUF)]
        + [pltpu.SemaphoreType.DMA((_NBUF,)), pltpu.SemaphoreType.DMA((_NBUF,))],
    )(shift16, input)

    return pl.pallas_call(
        _merge_kernel,
        grid=(_R_SC // _TC_BLK,),
        in_specs=[
            pl.BlockSpec((_TC_BLK, _N), lambda i: (i, 0)),
            pl.BlockSpec(memory_space=pl.ANY),
        ],
        out_specs=pl.BlockSpec((_TC_BLK, _N), lambda i: (i + _TC_SPLIT, 0)),
        out_shape=jax.ShapeDtypeStruct((_N, _N), jnp.float32),
        input_output_aliases={1: 0},
        compiler_params=pltpu.CompilerParams(
            dimension_semantics=("arbitrary",),
        ),
    )(sc_out, tc_full)

# --- scband reference (transcript-rebuilt; emitter-appended) ---
"""Pipeline reference for scband-phi-augmentation-19490561589646 (READ-ONLY COPY).

The authoritative reference and input builder live on the scoring server;
editing this copy changes nothing except your own understanding.
"""

import jax, jax.numpy as jnp
import numpy as np

N = 4096

def setup_inputs(seed: int = 0) -> dict:
    key = jax.random.key(seed)
    k1, k2 = jax.random.split(key)
    inp = jax.random.normal(k1, (N, N), dtype=jnp.float32)
    # torch.rand(1): uniform [0,1) scalar noise, materialized explicitly for determinism
    noise = jax.random.uniform(k2, (1,), dtype=jnp.float32)
    return {"input": inp, "noise": noise}

def reference(input, noise):
    # training-mode branch of PhiAugmentation.forward (torch modules default to training=True)
    # phi = input[:, range(1, input.shape[0], 3)]
    cols = jnp.arange(1, input.shape[0], 3)
    phi = jnp.take(input, cols, axis=1)
    # phi = phi + torch.rand(1) * 2 - 1
    phi = phi + noise * 2.0 - 1.0
    # phi[phi > 1] = phi[phi > 1] - 2
    phi = jnp.where(phi > 1.0, phi - 2.0, phi)
    # input[:, range(1, input.shape[0], 3)] = phi
    out = input.at[:, cols].set(phi)
    return out

if __name__ == "__main__":
    import jax
    _d = setup_inputs()
    print(jax.jit(kernel)(*tuple(_d.values())))

</pallas_src>

<mosaic_0001>
#map = affine_map<(d0, d1) -> (0)>
#map1 = affine_map<(d0, d1) -> (0, 0)>
module attributes {stable_mosaic.version = 14 : i64} {
  func.func @_sc_body(%arg0: i32, %arg1: i32, %arg2: memref<16xf32, #tpu.memory_space<hbm>>, %arg3: memref<4096x4096xf32, #tpu.memory_space<hbm>>, %arg4: memref<256x4096xf32, #tpu.memory_space<hbm>>, %arg5: memref<16xf32, #tpu.memory_space<vmem>>, %arg6: memref<4x4096xf32, #tpu.memory_space<vmem>>, %arg7: memref<4x4096xf32, #tpu.memory_space<vmem>>, %arg8: memref<2x!tpu.dma_semaphore, #tpu.memory_space<semaphore_mem>>, %arg9: memref<2x!tpu.dma_semaphore, #tpu.memory_space<semaphore_mem>>) attributes {dimension_semantics = [#tpu.dimension_semantics<core_parallel>, #tpu.dimension_semantics<subcore_parallel>], iteration_bounds = array<i64: 2, 16>, scalar_prefetch = 0 : i64, scratch_operands = 5 : i64, tpu.core_type = #tpu.core_type<sc_vector_subcore>, window_params = [{transform_indices = #map}, {transform_indices = #map1}, {transform_indices = #map1}]} {
    %mul3A = arith.constant 2 : i32
    %mul3A_0 = arith.muli %arg1, %mul3A : i32
    %add3A = arith.addi %mul3A_0, %arg0 : i32
    %mul3A_1 = arith.constant 8 : i32
    %mul3A_2 = arith.muli %add3A, %mul3A_1 : i32
    %add3A_3 = arith.constant 3840 : i32
    %add3A_4 = arith.addi %add3A_3, %mul3A_2 : i32
    "tpu.region"() ({
      %run_scoped3A = tpu.sem_alloc : memref<!tpu.dma_semaphore, #tpu.memory_space<semaphore_mem>>
      tpu.enqueue_dma source(%arg2 : memref<16xf32, #tpu.memory_space<hbm>>) target(%arg5 : memref<16xf32, #tpu.memory_space<vmem>>) target_semaphore(%run_scoped3A : memref<!tpu.dma_semaphore, #tpu.memory_space<semaphore_mem>>)
      tpu.wait_dma2 semaphore(%run_scoped3A : memref<!tpu.dma_semaphore, #tpu.memory_space<semaphore_mem>>) src(%arg2 : memref<16xf32, #tpu.memory_space<hbm>>) dst(%arg5 : memref<16xf32, #tpu.memory_space<vmem>>)
      tpu.yield
    }) : () -> ()
    %get3A = arith.constant 0 : index
    %get3A_5 = tpu.vector_load %arg5[%get3A] {strides = array<i32>} : memref<16xf32, #tpu.memory_space<vmem>>, vector<16xf32>,
    %iota3A = tpu.iota {dimensions = array<i32: 0>} : vector<16xi32>
    %mul3A_6 = arith.constant 3 : i32
    %mul3A_7 = vector.broadcast %mul3A_6 : i32 to vector<16xi32>
    %mul3A_8 = arith.muli %mul3A_7, %iota3A : vector<16xi32>
    %add3A_9 = arith.constant 1 : i32
    %add3A_10 = vector.broadcast %add3A_9 : i32 to vector<16xi32>
    %add3A_11 = arith.addi %add3A_10, %mul3A_8 : vector<16xi32>
    %lt3A = arith.constant 5 : i32
    %lt3A_12 = vector.broadcast %lt3A : i32 to vector<16xi32>
    %lt3A_13 = arith.cmpi slt, %iota3A, %lt3A_12 : vector<16xi32>
    %add3A_14 = arith.constant 0 : i32
    %add3A_15 = arith.addi %add3A_4, %add3A_14 : i32
    %dma_start3A = arith.constant 0 : i32
    %dma_start3A_16 = arith.constant 0 : i32
    %dma_start3A_17 = tpu.memref_slice %arg3[%add3A_15, %dma_start3A_16] : memref<4096x4096xf32, #tpu.memory_space<hbm>> -> memref<4x4096xf32, #tpu.memory_space<hbm>>
    %dma_start3A_18 = tpu.memref_slice %arg8[%dma_start3A] : memref<2x!tpu.dma_semaphore, #tpu.memory_space<semaphore_mem>> -> memref<1x!tpu.dma_semaphore, #tpu.memory_space<semaphore_mem>>
    %dma_start3A_19 = tpu.memref_squeeze %dma_start3A_18 : memref<1x!tpu.dma_semaphore, #tpu.memory_space<semaphore_mem>> -> memref<!tpu.dma_semaphore, #tpu.memory_space<semaphore_mem>>
    %dma_start3A_20 = arith.constant 0 : i32
    %dma_start3A_21 = tpu.memref_slice %arg3[%add3A_15, %dma_start3A_20] : memref<4096x4096xf32, #tpu.memory_space<hbm>> -> memref<4x4096xf32, #tpu.memory_space<hbm>>
    tpu.enqueue_dma source(%dma_start3A_21 : memref<4x4096xf32, #tpu.memory_space<hbm>>) target(%arg6 : memref<4x4096xf32, #tpu.memory_space<vmem>>) target_semaphore(%dma_start3A_19 : memref<!tpu.dma_semaphore, #tpu.memory_space<semaphore_mem>>)
    %add3A_22 = arith.constant 4 : i32
    %add3A_23 = arith.addi %add3A_4, %add3A_22 : i32
    %dma_start3A_24 = arith.constant 1 : i32
    %dma_start3A_25 = arith.constant 0 : i32
    %dma_start3A_26 = tpu.memref_slice %arg3[%add3A_23, %dma_start3A_25] : memref<4096x4096xf32, #tpu.memory_space<hbm>> -> memref<4x4096xf32, #tpu.memory_space<hbm>>
    %dma_start3A_27 = tpu.memref_slice %arg8[%dma_start3A_24] : memref<2x!tpu.dma_semaphore, #tpu.memory_space<semaphore_mem>> -> memref<1x!tpu.dma_semaphore, #tpu.memory_space<semaphore_mem>>
    %dma_start3A_28 = tpu.memref_squeeze %dma_start3A_27 : memref<1x!tpu.dma_semaphore, #tpu.memory_space<semaphore_mem>> -> memref<!tpu.dma_semaphore, #tpu.memory_space<semaphore_mem>>
    %dma_start3A_29 = arith.constant 0 : i32
    %dma_start3A_30 = tpu.memref_slice %arg3[%add3A_23, %dma_start3A_29] : memref<4096x4096xf32, #tpu.memory_space<hbm>> -> memref<4x4096xf32, #tpu.memory_space<hbm>>
    tpu.enqueue_dma source(%dma_start3A_30 : memref<4x4096xf32, #tpu.memory_space<hbm>>) target(%arg7 : memref<4x4096xf32, #tpu.memory_space<vmem>>) target_semaphore(%dma_start3A_28 : memref<!tpu.dma_semaphore, #tpu.memory_space<semaphore_mem>>)
    %add3A_31 = arith.constant 0 : i32
    %add3A_32 = arith.addi %add3A_4, %add3A_31 : i32
    %dma_wait3A = arith.constant 0 : i32
    %dma_wait3A_33 = arith.constant 0 : i32
    %dma_wait3A_34 = tpu.memref_slice %arg3[%add3A_32, %dma_wait3A_33] : memref<4096x4096xf32, #tpu.memory_space<hbm>> -> memref<4x4096xf32, #tpu.memory_space<hbm>>
    %dma_wait3A_35 = tpu.memref_slice %arg8[%dma_wait3A] : memref<2x!tpu.dma_semaphore, #tpu.memory_space<semaphore_mem>> -> memref<1x!tpu.dma_semaphore, #tpu.memory_space<semaphore_mem>>
    %dma_wait3A_36 = tpu.memref_squeeze %dma_wait3A_35 : memref<1x!tpu.dma_semaphore, #tpu.memory_space<semaphore_mem>> -> memref<!tpu.dma_semaphore, #tpu.memory_space<semaphore_mem>>
    %dma_wait3A_37 = arith.constant 0 : i32
    %dma_wait3A_38 = tpu.memref_slice %arg3[%add3A_32, %dma_wait3A_37] : memref<4096x4096xf32, #tpu.memory_space<hbm>> -> memref<4x4096xf32, #tpu.memory_space<hbm>>
    tpu.wait_dma2 semaphore(%dma_wait3A_36 : memref<!tpu.dma_semaphore, #tpu.memory_space<semaphore_mem>>) src(%dma_wait3A_38 : memref<4x4096xf32, #tpu.memory_space<hbm>>) dst(%arg6 : memref<4x4096xf32, #tpu.memory_space<vmem>>)
    %broadcast_in_dim3A = arith.constant 0 : i32
    %broadcast_in_dim3A_39 = vector.broadcast %broadcast_in_dim3A : i32 to vector<16xi32>
    %scan3A = arith.constant 0 : i32
    %scan3A_40 = arith.constant 85 : i32
    %scan3A_41 = arith.addi %scan3A, %scan3A_40 : i32
    %scan3A_42 = arith.constant 1 : i32
    %scan3A_43 = scf.for %scan3A_270 = %scan3A to %scan3A_41 step %scan3A_42 iter_args(%scan3A_271 = %add3A_11) -> (vector<16xi32>)  : i32 {
      %mul3A_272 = arith.constant 1 : i32
      %mul3A_273 = arith.muli %scan3A_270, %mul3A_272 : i32
      %add3A_274 = arith.constant 0 : i32
      %add3A_275 = arith.addi %add3A_274, %mul3A_273 : i32
      %gather3A_276 = tpu.vector_load_idx %arg6[%broadcast_in_dim3A_39, %scan3A_271] : memref<4x4096xf32, #tpu.memory_space<vmem>>[vector<16xi32>, vector<16xi32>], vector<16xf32>,
      %add3A_277 = arith.addf %gather3A_276, %get3A_5 : vector<16xf32>
      %sub3A_278 = arith.constant 1.000000e+00 : f32
      %sub3A_279 = vector.broadcast %sub3A_278 : f32 to vector<16xf32>
      %sub3A_280 = arith.subf %add3A_277, %sub3A_279 : vector<16xf32>
      %gt3A_281 = arith.constant 1.000000e+00 : f32
      %gt3A_282 = vector.broadcast %gt3A_281 : f32 to vector<16xf32>
      %gt3A_283 = arith.cmpf ogt, %sub3A_280, %gt3A_282 : vector<16xf32>
      %sub3A_284 = arith.constant 2.000000e+00 : f32
      %sub3A_285 = vector.broadcast %sub3A_284 : f32 to vector<16xf32>
      %sub3A_286 = arith.subf %sub3A_280, %sub3A_285 : vector<16xf32>
      %select_n3A_287 = arith.select %gt3A_283, %sub3A_286, %sub3A_280 : vector<16xi1>, vector<16xf32>
      tpu.vector_store_idx %arg6[%broadcast_in_dim3A_39, %scan3A_271], %select_n3A_287 : memref<4x4096xf32, #tpu.memory_space<vmem>>[vector<16xi32>, vector<16xi32>], vector<16xf32>,
      %add3A_288 = arith.constant 48 : i32
      %add3A_289 = vector.broadcast %add3A_288 : i32 to vector<16xi32>
      %add3A_290 = arith.addi %scan3A_271, %add3A_289 : vector<16xi32>
      scf.yield %add3A_290 : vector<16xi32>
    }
    %scan3A_44 = arith.constant 85 : i32
    %add3A_45 = arith.constant 4080 : i32
    %add3A_46 = vector.broadcast %add3A_45 : i32 to vector<16xi32>
    %add3A_47 = arith.addi %add3A_11, %add3A_46 : vector<16xi32>
    %gather3A = tpu.vector_load_idx %arg6[%broadcast_in_dim3A_39, %add3A_47] masked %lt3A_13 : memref<4x4096xf32, #tpu.memory_space<vmem>>[vector<16xi32>, vector<16xi32>], vector<16xf32>, vector<16xi1>
    %add3A_48 = arith.addf %gather3A, %get3A_5 : vector<16xf32>
    %sub3A = arith.constant 1.000000e+00 : f32
    %sub3A_49 = vector.broadcast %sub3A : f32 to vector<16xf32>
    %sub3A_50 = arith.subf %add3A_48, %sub3A_49 : vector<16xf32>
    %gt3A = arith.constant 1.000000e+00 : f32
    %gt3A_51 = vector.broadcast %gt3A : f32 to vector<16xf32>
    %gt3A_52 = arith.cmpf ogt, %sub3A_50, %gt3A_51 : vector<16xf32>
    %sub3A_53 = arith.constant 2.000000e+00 : f32
    %sub3A_54 = vector.broadcast %sub3A_53 : f32 to vector<16xf32>
    %sub3A_55 = arith.subf %sub3A_50, %sub3A_54 : vector<16xf32>
    %select_n3A = arith.select %gt3A_52, %sub3A_55, %sub3A_50 : vector<16xi1>, vector<16xf32>
    tpu.vector_store_idx %arg6[%broadcast_in_dim3A_39, %add3A_47], %select_n3A masked %lt3A_13 : memref<4x4096xf32, #tpu.memory_space<vmem>>[vector<16xi32>, vector<16xi32>], vector<16xf32>, vector<16xi1>
    %broadcast_in_dim3A_56 = arith.constant 1 : i32
    %broadcast_in_dim3A_57 = vector.broadcast %broadcast_in_dim3A_56 : i32 to vector<16xi32>
    %scan3A_58 = arith.constant 0 : i32
    %scan3A_59 = arith.constant 85 : i32
    %scan3A_60 = arith.addi %scan3A_58, %scan3A_59 : i32
    %scan3A_61 = arith.constant 1 : i32
    %scan3A_62 = scf.for %scan3A_270 = %scan3A_58 to %scan3A_60 step %scan3A_61 iter_args(%scan3A_271 = %add3A_11) -> (vector<16xi32>)  : i32 {
      %mul3A_272 = arith.constant 1 : i32
      %mul3A_273 = arith.muli %scan3A_270, %mul3A_272 : i32
      %add3A_274 = arith.constant 0 : i32
      %add3A_275 = arith.addi %add3A_274, %mul3A_273 : i32
      %gather3A_276 = tpu.vector_load_idx %arg6[%broadcast_in_dim3A_57, %scan3A_271] : memref<4x4096xf32, #tpu.memory_space<vmem>>[vector<16xi32>, vector<16xi32>], vector<16xf32>,
      %add3A_277 = arith.addf %gather3A_276, %get3A_5 : vector<16xf32>
      %sub3A_278 = arith.constant 1.000000e+00 : f32
      %sub3A_279 = vector.broadcast %sub3A_278 : f32 to vector<16xf32>
      %sub3A_280 = arith.subf %add3A_277, %sub3A_279 : vector<16xf32>
      %gt3A_281 = arith.constant 1.000000e+00 : f32
      %gt3A_282 = vector.broadcast %gt3A_281 : f32 to vector<16xf32>
      %gt3A_283 = arith.cmpf ogt, %sub3A_280, %gt3A_282 : vector<16xf32>
      %sub3A_284 = arith.constant 2.000000e+00 : f32
      %sub3A_285 = vector.broadcast %sub3A_284 : f32 to vector<16xf32>
      %sub3A_286 = arith.subf %sub3A_280, %sub3A_285 : vector<16xf32>
      %select_n3A_287 = arith.select %gt3A_283, %sub3A_286, %sub3A_280 : vector<16xi1>, vector<16xf32>
      tpu.vector_store_idx %arg6[%broadcast_in_dim3A_57, %scan3A_271], %select_n3A_287 : memref<4x4096xf32, #tpu.memory_space<vmem>>[vector<16xi32>, vector<16xi32>], vector<16xf32>,
      %add3A_288 = arith.constant 48 : i32
      %add3A_289 = vector.broadcast %add3A_288 : i32 to vector<16xi32>
      %add3A_290 = arith.addi %scan3A_271, %add3A_289 : vector<16xi32>
      scf.yield %add3A_290 : vector<16xi32>
    }
    %scan3A_63 = arith.constant 85 : i32
    %add3A_64 = arith.constant 4080 : i32
    %add3A_65 = vector.broadcast %add3A_64 : i32 to vector<16xi32>
    %add3A_66 = arith.addi %add3A_11, %add3A_65 : vector<16xi32>
    %gather3A_67 = tpu.vector_load_idx %arg6[%broadcast_in_dim3A_57, %add3A_66] masked %lt3A_13 : memref<4x4096xf32, #tpu.memory_space<vmem>>[vector<16xi32>, vector<16xi32>], vector<16xf32>, vector<16xi1>
    %add3A_68 = arith.addf %gather3A_67, %get3A_5 : vector<16xf32>
    %sub3A_69 = arith.constant 1.000000e+00 : f32
    %sub3A_70 = vector.broadcast %sub3A_69 : f32 to vector<16xf32>
    %sub3A_71 = arith.subf %add3A_68, %sub3A_70 : vector<16xf32>
    %gt3A_72 = arith.constant 1.000000e+00 : f32
    %gt3A_73 = vector.broadcast %gt3A_72 : f32 to vector<16xf32>
    %gt3A_74 = arith.cmpf ogt, %sub3A_71, %gt3A_73 : vector<16xf32>
    %sub3A_75 = arith.constant 2.000000e+00 : f32
    %sub3A_76 = vector.broadcast %sub3A_75 : f32 to vector<16xf32>
    %sub3A_77 = arith.subf %sub3A_71, %sub3A_76 : vector<16xf32>
    %select_n3A_78 = arith.select %gt3A_74, %sub3A_77, %sub3A_71 : vector<16xi1>, vector<16xf32>
    tpu.vector_store_idx %arg6[%broadcast_in_dim3A_57, %add3A_66], %select_n3A_78 masked %lt3A_13 : memref<4x4096xf32, #tpu.memory_space<vmem>>[vector<16xi32>, vector<16xi32>], vector<16xf32>, vector<16xi1>
    %broadcast_in_dim3A_79 = arith.constant 2 : i32
    %broadcast_in_dim3A_80 = vector.broadcast %broadcast_in_dim3A_79 : i32 to vector<16xi32>
    %scan3A_81 = arith.constant 0 : i32
    %scan3A_82 = arith.constant 85 : i32
    %scan3A_83 = arith.addi %scan3A_81, %scan3A_82 : i32
    %scan3A_84 = arith.constant 1 : i32
    %scan3A_85 = scf.for %scan3A_270 = %scan3A_81 to %scan3A_83 step %scan3A_84 iter_args(%scan3A_271 = %add3A_11) -> (vector<16xi32>)  : i32 {
      %mul3A_272 = arith.constant 1 : i32
      %mul3A_273 = arith.muli %scan3A_270, %mul3A_272 : i32
      %add3A_274 = arith.constant 0 : i32
      %add3A_275 = arith.addi %add3A_274, %mul3A_273 : i32
      %gather3A_276 = tpu.vector_load_idx %arg6[%broadcast_in_dim3A_80, %scan3A_271] : memref<4x4096xf32, #tpu.memory_space<vmem>>[vector<16xi32>, vector<16xi32>], vector<16xf32>,
      %add3A_277 = arith.addf %gather3A_276, %get3A_5 : vector<16xf32>
      %sub3A_278 = arith.constant 1.000000e+00 : f32
      %sub3A_279 = vector.broadcast %sub3A_278 : f32 to vector<16xf32>
      %sub3A_280 = arith.subf %add3A_277, %sub3A_279 : vector<16xf32>
      %gt3A_281 = arith.constant 1.000000e+00 : f32
      %gt3A_282 = vector.broadcast %gt3A_281 : f32 to vector<16xf32>
      %gt3A_283 = arith.cmpf ogt, %sub3A_280, %gt3A_282 : vector<16xf32>
      %sub3A_284 = arith.constant 2.000000e+00 : f32
      %sub3A_285 = vector.broadcast %sub3A_284 : f32 to vector<16xf32>
      %sub3A_286 = arith.subf %sub3A_280, %sub3A_285 : vector<16xf32>
      %select_n3A_287 = arith.select %gt3A_283, %sub3A_286, %sub3A_280 : vector<16xi1>, vector<16xf32>
      tpu.vector_store_idx %arg6[%broadcast_in_dim3A_80, %scan3A_271], %select_n3A_287 : memref<4x4096xf32, #tpu.memory_space<vmem>>[vector<16xi32>, vector<16xi32>], vector<16xf32>,
      %add3A_288 = arith.constant 48 : i32
      %add3A_289 = vector.broadcast %add3A_288 : i32 to vector<16xi32>
      %add3A_290 = arith.addi %scan3A_271, %add3A_289 : vector<16xi32>
      scf.yield %add3A_290 : vector<16xi32>
    }
    %scan3A_86 = arith.constant 85 : i32
    %add3A_87 = arith.constant 4080 : i32
    %add3A_88 = vector.broadcast %add3A_87 : i32 to vector<16xi32>
    %add3A_89 = arith.addi %add3A_11, %add3A_88 : vector<16xi32>
    %gather3A_90 = tpu.vector_load_idx %arg6[%broadcast_in_dim3A_80, %add3A_89] masked %lt3A_13 : memref<4x4096xf32, #tpu.memory_space<vmem>>[vector<16xi32>, vector<16xi32>], vector<16xf32>, vector<16xi1>
    %add3A_91 = arith.addf %gather3A_90, %get3A_5 : vector<16xf32>
    %sub3A_92 = arith.constant 1.000000e+00 : f32
    %sub3A_93 = vector.broadcast %sub3A_92 : f32 to vector<16xf32>
    %sub3A_94 = arith.subf %add3A_91, %sub3A_93 : vector<16xf32>
    %gt3A_95 = arith.constant 1.000000e+00 : f32
    %gt3A_96 = vector.broadcast %gt3A_95 : f32 to vector<16xf32>
    %gt3A_97 = arith.cmpf ogt, %sub3A_94, %gt3A_96 : vector<16xf32>
    %sub3A_98 = arith.constant 2.000000e+00 : f32
    %sub3A_99 = vector.broadcast %sub3A_98 : f32 to vector<16xf32>
    %sub3A_100 = arith.subf %sub3A_94, %sub3A_99 : vector<16xf32>
    %select_n3A_101 = arith.select %gt3A_97, %sub3A_100, %sub3A_94 : vector<16xi1>, vector<16xf32>
    tpu.vector_store_idx %arg6[%broadcast_in_dim3A_80, %add3A_89], %select_n3A_101 masked %lt3A_13 : memref<4x4096xf32, #tpu.memory_space<vmem>>[vector<16xi32>, vector<16xi32>], vector<16xf32>, vector<16xi1>
    %broadcast_in_dim3A_102 = arith.constant 3 : i32
    %broadcast_in_dim3A_103 = vector.broadcast %broadcast_in_dim3A_102 : i32 to vector<16xi32>
    %scan3A_104 = arith.constant 0 : i32
    %scan3A_105 = arith.constant 85 : i32
    %scan3A_106 = arith.addi %scan3A_104, %scan3A_105 : i32
    %scan3A_107 = arith.constant 1 : i32
    %scan3A_108 = scf.for %scan3A_270 = %scan3A_104 to %scan3A_106 step %scan3A_107 iter_args(%scan3A_271 = %add3A_11) -> (vector<16xi32>)  : i32 {
      %mul3A_272 = arith.constant 1 : i32
      %mul3A_273 = arith.muli %scan3A_270, %mul3A_272 : i32
      %add3A_274 = arith.constant 0 : i32
      %add3A_275 = arith.addi %add3A_274, %mul3A_273 : i32
      %gather3A_276 = tpu.vector_load_idx %arg6[%broadcast_in_dim3A_103, %scan3A_271] : memref<4x4096xf32, #tpu.memory_space<vmem>>[vector<16xi32>, vector<16xi32>], vector<16xf32>,
      %add3A_277 = arith.addf %gather3A_276, %get3A_5 : vector<16xf32>
      %sub3A_278 = arith.constant 1.000000e+00 : f32
      %sub3A_279 = vector.broadcast %sub3A_278 : f32 to vector<16xf32>
      %sub3A_280 = arith.subf %add3A_277, %sub3A_279 : vector<16xf32>
      %gt3A_281 = arith.constant 1.000000e+00 : f32
      %gt3A_282 = vector.broadcast %gt3A_281 : f32 to vector<16xf32>
      %gt3A_283 = arith.cmpf ogt, %sub3A_280, %gt3A_282 : vector<16xf32>
      %sub3A_284 = arith.constant 2.000000e+00 : f32
      %sub3A_285 = vector.broadcast %sub3A_284 : f32 to vector<16xf32>
      %sub3A_286 = arith.subf %sub3A_280, %sub3A_285 : vector<16xf32>
      %select_n3A_287 = arith.select %gt3A_283, %sub3A_286, %sub3A_280 : vector<16xi1>, vector<16xf32>
      tpu.vector_store_idx %arg6[%broadcast_in_dim3A_103, %scan3A_271], %select_n3A_287 : memref<4x4096xf32, #tpu.memory_space<vmem>>[vector<16xi32>, vector<16xi32>], vector<16xf32>,
      %add3A_288 = arith.constant 48 : i32
      %add3A_289 = vector.broadcast %add3A_288 : i32 to vector<16xi32>
      %add3A_290 = arith.addi %scan3A_271, %add3A_289 : vector<16xi32>
      scf.yield %add3A_290 : vector<16xi32>
    }
    %scan3A_109 = arith.constant 85 : i32
    %add3A_110 = arith.constant 4080 : i32
    %add3A_111 = vector.broadcast %add3A_110 : i32 to vector<16xi32>
    %add3A_112 = arith.addi %add3A_11, %add3A_111 : vector<16xi32>
    %gather3A_113 = tpu.vector_load_idx %arg6[%broadcast_in_dim3A_103, %add3A_112] masked %lt3A_13 : memref<4x4096xf32, #tpu.memory_space<vmem>>[vector<16xi32>, vector<16xi32>], vector<16xf32>, vector<16xi1>
    %add3A_114 = arith.addf %gather3A_113, %get3A_5 : vector<16xf32>
    %sub3A_115 = arith.constant 1.000000e+00 : f32
    %sub3A_116 = vector.broadcast %sub3A_115 : f32 to vector<16xf32>
    %sub3A_117 = arith.subf %add3A_114, %sub3A_116 : vector<16xf32>
    %gt3A_118 = arith.constant 1.000000e+00 : f32
    %gt3A_119 = vector.broadcast %gt3A_118 : f32 to vector<16xf32>
    %gt3A_120 = arith.cmpf ogt, %sub3A_117, %gt3A_119 : vector<16xf32>
    %sub3A_121 = arith.constant 2.000000e+00 : f32
    %sub3A_122 = vector.broadcast %sub3A_121 : f32 to vector<16xf32>
    %sub3A_123 = arith.subf %sub3A_117, %sub3A_122 : vector<16xf32>
    %select_n3A_124 = arith.select %gt3A_120, %sub3A_123, %sub3A_117 : vector<16xi1>, vector<16xf32>
    tpu.vector_store_idx %arg6[%broadcast_in_dim3A_103, %add3A_112], %select_n3A_124 masked %lt3A_13 : memref<4x4096xf32, #tpu.memory_space<vmem>>[vector<16xi32>, vector<16xi32>], vector<16xf32>, vector<16xi1>
    %mul3A_125 = arith.constant 8 : i32
    %mul3A_126 = arith.muli %add3A, %mul3A_125 : i32
    %add3A_127 = arith.constant 0 : i32
    %add3A_128 = arith.addi %mul3A_126, %add3A_127 : i32
    %dma_start3A_129 = arith.constant 0 : i32
    %dma_start3A_130 = arith.constant 0 : i32
    %dma_start3A_131 = tpu.memref_slice %arg4[%add3A_128, %dma_start3A_130] : memref<256x4096xf32, #tpu.memory_space<hbm>> -> memref<4x4096xf32, #tpu.memory_space<hbm>>
    %dma_start3A_132 = tpu.memref_slice %arg9[%dma_start3A_129] : memref<2x!tpu.dma_semaphore, #tpu.memory_space<semaphore_mem>> -> memref<1x!tpu.dma_semaphore, #tpu.memory_space<semaphore_mem>>
    %dma_start3A_133 = tpu.memref_squeeze %dma_start3A_132 : memref<1x!tpu.dma_semaphore, #tpu.memory_space<semaphore_mem>> -> memref<!tpu.dma_semaphore, #tpu.memory_space<semaphore_mem>>
    %dma_start3A_134 = arith.constant 0 : i32
    %dma_start3A_135 = tpu.memref_slice %arg4[%add3A_128, %dma_start3A_134] : memref<256x4096xf32, #tpu.memory_space<hbm>> -> memref<4x4096xf32, #tpu.memory_space<hbm>>
    tpu.enqueue_dma source(%arg6 : memref<4x4096xf32, #tpu.memory_space<vmem>>) target(%dma_start3A_135 : memref<4x4096xf32, #tpu.memory_space<hbm>>) target_semaphore(%dma_start3A_133 : memref<!tpu.dma_semaphore, #tpu.memory_space<semaphore_mem>>)
    %add3A_136 = arith.constant 4 : i32
    %add3A_137 = arith.addi %add3A_4, %add3A_136 : i32
    %dma_wait3A_138 = arith.constant 1 : i32
    %dma_wait3A_139 = arith.constant 0 : i32
    %dma_wait3A_140 = tpu.memref_slice %arg3[%add3A_137, %dma_wait3A_139] : memref<4096x4096xf32, #tpu.memory_space<hbm>> -> memref<4x4096xf32, #tpu.memory_space<hbm>>
    %dma_wait3A_141 = tpu.memref_slice %arg8[%dma_wait3A_138] : memref<2x!tpu.dma_semaphore, #tpu.memory_space<semaphore_mem>> -> memref<1x!tpu.dma_semaphore, #tpu.memory_space<semaphore_mem>>
    %dma_wait3A_142 = tpu.memref_squeeze %dma_wait3A_141 : memref<1x!tpu.dma_semaphore, #tpu.memory_space<semaphore_mem>> -> memref<!tpu.dma_semaphore, #tpu.memory_space<semaphore_mem>>
    %dma_wait3A_143 = arith.constant 0 : i32
    %dma_wait3A_144 = tpu.memref_slice %arg3[%add3A_137, %dma_wait3A_143] : memref<4096x4096xf32, #tpu.memory_space<hbm>> -> memref<4x4096xf32, #tpu.memory_space<hbm>>
    tpu.wait_dma2 semaphore(%dma_wait3A_142 : memref<!tpu.dma_semaphore, #tpu.memory_space<semaphore_mem>>) src(%dma_wait3A_144 : memref<4x4096xf32, #tpu.memory_space<hbm>>) dst(%arg7 : memref<4x4096xf32, #tpu.memory_space<vmem>>)
    %broadcast_in_dim3A_145 = arith.constant 0 : i32
    %broadcast_in_dim3A_146 = vector.broadcast %broadcast_in_dim3A_145 : i32 to vector<16xi32>
    %scan3A_147 = arith.constant 0 : i32
    %scan3A_148 = arith.constant 85 : i32
    %scan3A_149 = arith.addi %scan3A_147, %scan3A_148 : i32
    %scan3A_150 = arith.constant 1 : i32
    %scan3A_151 = scf.for %scan3A_270 = %scan3A_147 to %scan3A_149 step %scan3A_150 iter_args(%scan3A_271 = %add3A_11) -> (vector<16xi32>)  : i32 {
      %mul3A_272 = arith.constant 1 : i32
      %mul3A_273 = arith.muli %scan3A_270, %mul3A_272 : i32
      %add3A_274 = arith.constant 0 : i32
      %add3A_275 = arith.addi %add3A_274, %mul3A_273 : i32
      %gather3A_276 = tpu.vector_load_idx %arg7[%broadcast_in_dim3A_146, %scan3A_271] : memref<4x4096xf32, #tpu.memory_space<vmem>>[vector<16xi32>, vector<16xi32>], vector<16xf32>,
      %add3A_277 = arith.addf %gather3A_276, %get3A_5 : vector<16xf32>
      %sub3A_278 = arith.constant 1.000000e+00 : f32
      %sub3A_279 = vector.broadcast %sub3A_278 : f32 to vector<16xf32>
      %sub3A_280 = arith.subf %add3A_277, %sub3A_279 : vector<16xf32>
      %gt3A_281 = arith.constant 1.000000e+00 : f32
      %gt3A_282 = vector.broadcast %gt3A_281 : f32 to vector<16xf32>
      %gt3A_283 = arith.cmpf ogt, %sub3A_280, %gt3A_282 : vector<16xf32>
      %sub3A_284 = arith.constant 2.000000e+00 : f32
      %sub3A_285 = vector.broadcast %sub3A_284 : f32 to vector<16xf32>
      %sub3A_286 = arith.subf %sub3A_280, %sub3A_285 : vector<16xf32>
      %select_n3A_287 = arith.select %gt3A_283, %sub3A_286, %sub3A_280 : vector<16xi1>, vector<16xf32>
      tpu.vector_store_idx %arg7[%broadcast_in_dim3A_146, %scan3A_271], %select_n3A_287 : memref<4x4096xf32, #tpu.memory_space<vmem>>[vector<16xi32>, vector<16xi32>], vector<16xf32>,
      %add3A_288 = arith.constant 48 : i32
      %add3A_289 = vector.broadcast %add3A_288 : i32 to vector<16xi32>
      %add3A_290 = arith.addi %scan3A_271, %add3A_289 : vector<16xi32>
      scf.yield %add3A_290 : vector<16xi32>
    }
    %scan3A_152 = arith.constant 85 : i32
    %add3A_153 = arith.constant 4080 : i32
    %add3A_154 = vector.broadcast %add3A_153 : i32 to vector<16xi32>
    %add3A_155 = arith.addi %add3A_11, %add3A_154 : vector<16xi32>
    %gather3A_156 = tpu.vector_load_idx %arg7[%broadcast_in_dim3A_146, %add3A_155] masked %lt3A_13 : memref<4x4096xf32, #tpu.memory_space<vmem>>[vector<16xi32>, vector<16xi32>], vector<16xf32>, vector<16xi1>
    %add3A_157 = arith.addf %gather3A_156, %get3A_5 : vector<16xf32>
    %sub3A_158 = arith.constant 1.000000e+00 : f32
    %sub3A_159 = vector.broadcast %sub3A_158 : f32 to vector<16xf32>
    %sub3A_160 = arith.subf %add3A_157, %sub3A_159 : vector<16xf32>
    %gt3A_161 = arith.constant 1.000000e+00 : f32
    %gt3A_162 = vector.broadcast %gt3A_161 : f32 to vector<16xf32>
    %gt3A_163 = arith.cmpf ogt, %sub3A_160, %gt3A_162 : vector<16xf32>
    %sub3A_164 = arith.constant 2.000000e+00 : f32
    %sub3A_165 = vector.broadcast %sub3A_164 : f32 to vector<16xf32>
    %sub3A_166 = arith.subf %sub3A_160, %sub3A_165 : vector<16xf32>
    %select_n3A_167 = arith.select %gt3A_163, %sub3A_166, %sub3A_160 : vector<16xi1>, vector<16xf32>
    tpu.vector_store_idx %arg7[%broadcast_in_dim3A_146, %add3A_155], %select_n3A_167 masked %lt3A_13 : memref<4x4096xf32, #tpu.memory_space<vmem>>[vector<16xi32>, vector<16xi32>], vector<16xf32>, vector<16xi1>
    %broadcast_in_dim3A_168 = arith.constant 1 : i32
    %broadcast_in_dim3A_169 = vector.broadcast %broadcast_in_dim3A_168 : i32 to vector<16xi32>
    %scan3A_170 = arith.constant 0 : i32
    %scan3A_171 = arith.constant 85 : i32
    %scan3A_172 = arith.addi %scan3A_170, %scan3A_171 : i32
    %scan3A_173 = arith.constant 1 : i32
    %scan3A_174 = scf.for %scan3A_270 = %scan3A_170 to %scan3A_172 step %scan3A_173 iter_args(%scan3A_271 = %add3A_11) -> (vector<16xi32>)  : i32 {
      %mul3A_272 = arith.constant 1 : i32
      %mul3A_273 = arith.muli %scan3A_270, %mul3A_272 : i32
      %add3A_274 = arith.constant 0 : i32
      %add3A_275 = arith.addi %add3A_274, %mul3A_273 : i32
      %gather3A_276 = tpu.vector_load_idx %arg7[%broadcast_in_dim3A_169, %scan3A_271] : memref<4x4096xf32, #tpu.memory_space<vmem>>[vector<16xi32>, vector<16xi32>], vector<16xf32>,
      %add3A_277 = arith.addf %gather3A_276, %get3A_5 : vector<16xf32>
      %sub3A_278 = arith.constant 1.000000e+00 : f32
      %sub3A_279 = vector.broadcast %sub3A_278 : f32 to vector<16xf32>
      %sub3A_280 = arith.subf %add3A_277, %sub3A_279 : vector<16xf32>
      %gt3A_281 = arith.constant 1.000000e+00 : f32
      %gt3A_282 = vector.broadcast %gt3A_281 : f32 to vector<16xf32>
      %gt3A_283 = arith.cmpf ogt, %sub3A_280, %gt3A_282 : vector<16xf32>
      %sub3A_284 = arith.constant 2.000000e+00 : f32
      %sub3A_285 = vector.broadcast %sub3A_284 : f32 to vector<16xf32>
      %sub3A_286 = arith.subf %sub3A_280, %sub3A_285 : vector<16xf32>
      %select_n3A_287 = arith.select %gt3A_283, %sub3A_286, %sub3A_280 : vector<16xi1>, vector<16xf32>
      tpu.vector_store_idx %arg7[%broadcast_in_dim3A_169, %scan3A_271], %select_n3A_287 : memref<4x4096xf32, #tpu.memory_space<vmem>>[vector<16xi32>, vector<16xi32>], vector<16xf32>,
      %add3A_288 = arith.constant 48 : i32
      %add3A_289 = vector.broadcast %add3A_288 : i32 to vector<16xi32>
      %add3A_290 = arith.addi %scan3A_271, %add3A_289 : vector<16xi32>
      scf.yield %add3A_290 : vector<16xi32>
    }
    %scan3A_175 = arith.constant 85 : i32
    %add3A_176 = arith.constant 4080 : i32
    %add3A_177 = vector.broadcast %add3A_176 : i32 to vector<16xi32>
    %add3A_178 = arith.addi %add3A_11, %add3A_177 : vector<16xi32>
    %gather3A_179 = tpu.vector_load_idx %arg7[%broadcast_in_dim3A_169, %add3A_178] masked %lt3A_13 : memref<4x4096xf32, #tpu.memory_space<vmem>>[vector<16xi32>, vector<16xi32>], vector<16xf32>, vector<16xi1>
    %add3A_180 = arith.addf %gather3A_179, %get3A_5 : vector<16xf32>
    %sub3A_181 = arith.constant 1.000000e+00 : f32
    %sub3A_182 = vector.broadcast %sub3A_181 : f32 to vector<16xf32>
    %sub3A_183 = arith.subf %add3A_180, %sub3A_182 : vector<16xf32>
    %gt3A_184 = arith.constant 1.000000e+00 : f32
    %gt3A_185 = vector.broadcast %gt3A_184 : f32 to vector<16xf32>
    %gt3A_186 = arith.cmpf ogt, %sub3A_183, %gt3A_185 : vector<16xf32>
    %sub3A_187 = arith.constant 2.000000e+00 : f32
    %sub3A_188 = vector.broadcast %sub3A_187 : f32 to vector<16xf32>
    %sub3A_189 = arith.subf %sub3A_183, %sub3A_188 : vector<16xf32>
    %select_n3A_190 = arith.select %gt3A_186, %sub3A_189, %sub3A_183 : vector<16xi1>, vector<16xf32>
    tpu.vector_store_idx %arg7[%broadcast_in_dim3A_169, %add3A_178], %select_n3A_190 masked %lt3A_13 : memref<4x4096xf32, #tpu.memory_space<vmem>>[vector<16xi32>, vector<16xi32>], vector<16xf32>, vector<16xi1>
    %broadcast_in_dim3A_191 = arith.constant 2 : i32
    %broadcast_in_dim3A_192 = vector.broadcast %broadcast_in_dim3A_191 : i32 to vector<16xi32>
    %scan3A_193 = arith.constant 0 : i32
    %scan3A_194 = arith.constant 85 : i32
    %scan3A_195 = arith.addi %scan3A_193, %scan3A_194 : i32
    %scan3A_196 = arith.constant 1 : i32
    %scan3A_197 = scf.for %scan3A_270 = %scan3A_193 to %scan3A_195 step %scan3A_196 iter_args(%scan3A_271 = %add3A_11) -> (vector<16xi32>)  : i32 {
      %mul3A_272 = arith.constant 1 : i32
      %mul3A_273 = arith.muli %scan3A_270, %mul3A_272 : i32
      %add3A_274 = arith.constant 0 : i32
      %add3A_275 = arith.addi %add3A_274, %mul3A_273 : i32
      %gather3A_276 = tpu.vector_load_idx %arg7[%broadcast_in_dim3A_192, %scan3A_271] : memref<4x4096xf32, #tpu.memory_space<vmem>>[vector<16xi32>, vector<16xi32>], vector<16xf32>,
      %add3A_277 = arith.addf %gather3A_276, %get3A_5 : vector<16xf32>
      %sub3A_278 = arith.constant 1.000000e+00 : f32
      %sub3A_279 = vector.broadcast %sub3A_278 : f32 to vector<16xf32>
      %sub3A_280 = arith.subf %add3A_277, %sub3A_279 : vector<16xf32>
      %gt3A_281 = arith.constant 1.000000e+00 : f32
      %gt3A_282 = vector.broadcast %gt3A_281 : f32 to vector<16xf32>
      %gt3A_283 = arith.cmpf ogt, %sub3A_280, %gt3A_282 : vector<16xf32>
      %sub3A_284 = arith.constant 2.000000e+00 : f32
      %sub3A_285 = vector.broadcast %sub3A_284 : f32 to vector<16xf32>
      %sub3A_286 = arith.subf %sub3A_280, %sub3A_285 : vector<16xf32>
      %select_n3A_287 = arith.select %gt3A_283, %sub3A_286, %sub3A_280 : vector<16xi1>, vector<16xf32>
      tpu.vector_store_idx %arg7[%broadcast_in_dim3A_192, %scan3A_271], %select_n3A_287 : memref<4x4096xf32, #tpu.memory_space<vmem>>[vector<16xi32>, vector<16xi32>], vector<16xf32>,
      %add3A_288 = arith.constant 48 : i32
      %add3A_289 = vector.broadcast %add3A_288 : i32 to vector<16xi32>
      %add3A_290 = arith.addi %scan3A_271, %add3A_289 : vector<16xi32>
      scf.yield %add3A_290 : vector<16xi32>
    }
    %scan3A_198 = arith.constant 85 : i32
    %add3A_199 = arith.constant 4080 : i32
    %add3A_200 = vector.broadcast %add3A_199 : i32 to vector<16xi32>
    %add3A_201 = arith.addi %add3A_11, %add3A_200 : vector<16xi32>
    %gather3A_202 = tpu.vector_load_idx %arg7[%broadcast_in_dim3A_192, %add3A_201] masked %lt3A_13 : memref<4x4096xf32, #tpu.memory_space<vmem>>[vector<16xi32>, vector<16xi32>], vector<16xf32>, vector<16xi1>
    %add3A_203 = arith.addf %gather3A_202, %get3A_5 : vector<16xf32>
    %sub3A_204 = arith.constant 1.000000e+00 : f32
    %sub3A_205 = vector.broadcast %sub3A_204 : f32 to vector<16xf32>
    %sub3A_206 = arith.subf %add3A_203, %sub3A_205 : vector<16xf32>
    %gt3A_207 = arith.constant 1.000000e+00 : f32
    %gt3A_208 = vector.broadcast %gt3A_207 : f32 to vector<16xf32>
    %gt3A_209 = arith.cmpf ogt, %sub3A_206, %gt3A_208 : vector<16xf32>
    %sub3A_210 = arith.constant 2.000000e+00 : f32
    %sub3A_211 = vector.broadcast %sub3A_210 : f32 to vector<16xf32>
    %sub3A_212 = arith.subf %sub3A_206, %sub3A_211 : vector<16xf32>
    %select_n3A_213 = arith.select %gt3A_209, %sub3A_212, %sub3A_206 : vector<16xi1>, vector<16xf32>
    tpu.vector_store_idx %arg7[%broadcast_in_dim3A_192, %add3A_201], %select_n3A_213 masked %lt3A_13 : memref<4x4096xf32, #tpu.memory_space<vmem>>[vector<16xi32>, vector<16xi32>], vector<16xf32>, vector<16xi1>
    %broadcast_in_dim3A_214 = arith.constant 3 : i32
    %broadcast_in_dim3A_215 = vector.broadcast %broadcast_in_dim3A_214 : i32 to vector<16xi32>
    %scan3A_216 = arith.constant 0 : i32
    %scan3A_217 = arith.constant 85 : i32
    %scan3A_218 = arith.addi %scan3A_216, %scan3A_217 : i32
    %scan3A_219 = arith.constant 1 : i32
    %scan3A_220 = scf.for %scan3A_270 = %scan3A_216 to %scan3A_218 step %scan3A_219 iter_args(%scan3A_271 = %add3A_11) -> (vector<16xi32>)  : i32 {
      %mul3A_272 = arith.constant 1 : i32
      %mul3A_273 = arith.muli %scan3A_270, %mul3A_272 : i32
      %add3A_274 = arith.constant 0 : i32
      %add3A_275 = arith.addi %add3A_274, %mul3A_273 : i32
      %gather3A_276 = tpu.vector_load_idx %arg7[%broadcast_in_dim3A_215, %scan3A_271] : memref<4x4096xf32, #tpu.memory_space<vmem>>[vector<16xi32>, vector<16xi32>], vector<16xf32>,
      %add3A_277 = arith.addf %gather3A_276, %get3A_5 : vector<16xf32>
      %sub3A_278 = arith.constant 1.000000e+00 : f32
      %sub3A_279 = vector.broadcast %sub3A_278 : f32 to vector<16xf32>
      %sub3A_280 = arith.subf %add3A_277, %sub3A_279 : vector<16xf32>
      %gt3A_281 = arith.constant 1.000000e+00 : f32
      %gt3A_282 = vector.broadcast %gt3A_281 : f32 to vector<16xf32>
      %gt3A_283 = arith.cmpf ogt, %sub3A_280, %gt3A_282 : vector<16xf32>
      %sub3A_284 = arith.constant 2.000000e+00 : f32
      %sub3A_285 = vector.broadcast %sub3A_284 : f32 to vector<16xf32>
      %sub3A_286 = arith.subf %sub3A_280, %sub3A_285 : vector<16xf32>
      %select_n3A_287 = arith.select %gt3A_283, %sub3A_286, %sub3A_280 : vector<16xi1>, vector<16xf32>
      tpu.vector_store_idx %arg7[%broadcast_in_dim3A_215, %scan3A_271], %select_n3A_287 : memref<4x4096xf32, #tpu.memory_space<vmem>>[vector<16xi32>, vector<16xi32>], vector<16xf32>,
      %add3A_288 = arith.constant 48 : i32
      %add3A_289 = vector.broadcast %add3A_288 : i32 to vector<16xi32>
      %add3A_290 = arith.addi %scan3A_271, %add3A_289 : vector<16xi32>
      scf.yield %add3A_290 : vector<16xi32>
    }
    %scan3A_221 = arith.constant 85 : i32
    %add3A_222 = arith.constant 4080 : i32
    %add3A_223 = vector.broadcast %add3A_222 : i32 to vector<16xi32>
    %add3A_224 = arith.addi %add3A_11, %add3A_223 : vector<16xi32>
    %gather3A_225 = tpu.vector_load_idx %arg7[%broadcast_in_dim3A_215, %add3A_224] masked %lt3A_13 : memref<4x4096xf32, #tpu.memory_space<vmem>>[vector<16xi32>, vector<16xi32>], vector<16xf32>, vector<16xi1>
    %add3A_226 = arith.addf %gather3A_225, %get3A_5 : vector<16xf32>
    %sub3A_227 = arith.constant 1.000000e+00 : f32
    %sub3A_228 = vector.broadcast %sub3A_227 : f32 to vector<16xf32>
    %sub3A_229 = arith.subf %add3A_226, %sub3A_228 : vector<16xf32>
    %gt3A_230 = arith.constant 1.000000e+00 : f32
    %gt3A_231 = vector.broadcast %gt3A_230 : f32 to vector<16xf32>
    %gt3A_232 = arith.cmpf ogt, %sub3A_229, %gt3A_231 : vector<16xf32>
    %sub3A_233 = arith.constant 2.000000e+00 : f32
    %sub3A_234 = vector.broadcast %sub3A_233 : f32 to vector<16xf32>
    %sub3A_235 = arith.subf %sub3A_229, %sub3A_234 : vector<16xf32>
    %select_n3A_236 = arith.select %gt3A_232, %sub3A_235, %sub3A_229 : vector<16xi1>, vector<16xf32>
    tpu.vector_store_idx %arg7[%broadcast_in_dim3A_215, %add3A_224], %select_n3A_236 masked %lt3A_13 : memref<4x4096xf32, #tpu.memory_space<vmem>>[vector<16xi32>, vector<16xi32>], vector<16xf32>, vector<16xi1>
    %mul3A_237 = arith.constant 8 : i32
    %mul3A_238 = arith.muli %add3A, %mul3A_237 : i32
    %add3A_239 = arith.constant 4 : i32
    %add3A_240 = arith.addi %mul3A_238, %add3A_239 : i32
    %dma_start3A_241 = arith.constant 1 : i32
    %dma_start3A_242 = arith.constant 0 : i32
    %dma_start3A_243 = tpu.memref_slice %arg4[%add3A_240, %dma_start3A_242] : memref<256x4096xf32, #tpu.memory_space<hbm>> -> memref<4x4096xf32, #tpu.memory_space<hbm>>
    %dma_start3A_244 = tpu.memref_slice %arg9[%dma_start3A_241] : memref<2x!tpu.dma_semaphore, #tpu.memory_space<semaphore_mem>> -> memref<1x!tpu.dma_semaphore, #tpu.memory_space<semaphore_mem>>
    %dma_start3A_245 = tpu.memref_squeeze %dma_start3A_244 : memref<1x!tpu.dma_semaphore, #tpu.memory_space<semaphore_mem>> -> memref<!tpu.dma_semaphore, #tpu.memory_space<semaphore_mem>>
    %dma_start3A_246 = arith.constant 0 : i32
    %dma_start3A_247 = tpu.memref_slice %arg4[%add3A_240, %dma_start3A_246] : memref<256x4096xf32, #tpu.memory_space<hbm>> -> memref<4x4096xf32, #tpu.memory_space<hbm>>
    tpu.enqueue_dma source(%arg7 : memref<4x4096xf32, #tpu.memory_space<vmem>>) target(%dma_start3A_247 : memref<4x4096xf32, #tpu.memory_space<hbm>>) target_semaphore(%dma_start3A_245 : memref<!tpu.dma_semaphore, #tpu.memory_space<semaphore_mem>>)
    %mul3A_248 = arith.constant 8 : i32
    %mul3A_249 = arith.muli %add3A, %mul3A_248 : i32
    %add3A_250 = arith.constant 0 : i32
    %add3A_251 = arith.addi %mul3A_249, %add3A_250 : i32
    %dma_wait3A_252 = arith.constant 0 : i32
    %dma_wait3A_253 = arith.constant 0 : i32
    %dma_wait3A_254 = tpu.memref_slice %arg4[%add3A_251, %dma_wait3A_253] : memref<256x4096xf32, #tpu.memory_space<hbm>> -> memref<4x4096xf32, #tpu.memory_space<hbm>>
    %dma_wait3A_255 = tpu.memref_slice %arg9[%dma_wait3A_252] : memref<2x!tpu.dma_semaphore, #tpu.memory_space<semaphore_mem>> -> memref<1x!tpu.dma_semaphore, #tpu.memory_space<semaphore_mem>>
    %dma_wait3A_256 = tpu.memref_squeeze %dma_wait3A_255 : memref<1x!tpu.dma_semaphore, #tpu.memory_space<semaphore_mem>> -> memref<!tpu.dma_semaphore, #tpu.memory_space<semaphore_mem>>
    %dma_wait3A_257 = arith.constant 0 : i32
    %dma_wait3A_258 = tpu.memref_slice %arg4[%add3A_251, %dma_wait3A_257] : memref<256x4096xf32, #tpu.memory_space<hbm>> -> memref<4x4096xf32, #tpu.memory_space<hbm>>
    tpu.wait_dma2 semaphore(%dma_wait3A_256 : memref<!tpu.dma_semaphore, #tpu.memory_space<semaphore_mem>>) src(%arg6 : memref<4x4096xf32, #tpu.memory_space<vmem>>) dst(%dma_wait3A_258 : memref<4x4096xf32, #tpu.memory_space<hbm>>)
    %mul3A_259 = arith.constant 8 : i32
    %mul3A_260 = arith.muli %add3A, %mul3A_259 : i32
    %add3A_261 = arith.constant 4 : i32
    %add3A_262 = arith.addi %mul3A_260, %add3A_261 : i32
    %dma_wait3A_263 = arith.constant 1 : i32
    %dma_wait3A_264 = arith.constant 0 : i32
    %dma_wait3A_265 = tpu.memref_slice %arg4[%add3A_262, %dma_wait3A_264] : memref<256x4096xf32, #tpu.memory_space<hbm>> -> memref<4x4096xf32, #tpu.memory_space<hbm>>
    %dma_wait3A_266 = tpu.memref_slice %arg9[%dma_wait3A_263] : memref<2x!tpu.dma_semaphore, #tpu.memory_space<semaphore_mem>> -> memref<1x!tpu.dma_semaphore, #tpu.memory_space<semaphore_mem>>
    %dma_wait3A_267 = tpu.memref_squeeze %dma_wait3A_266 : memref<1x!tpu.dma_semaphore, #tpu.memory_space<semaphore_mem>> -> memref<!tpu.dma_semaphore, #tpu.memory_space<semaphore_mem>>
    %dma_wait3A_268 = arith.constant 0 : i32
    %dma_wait3A_269 = tpu.memref_slice %arg4[%add3A_262, %dma_wait3A_268] : memref<256x4096xf32, #tpu.memory_space<hbm>> -> memref<4x4096xf32, #tpu.memory_space<hbm>>
    tpu.wait_dma2 semaphore(%dma_wait3A_267 : memref<!tpu.dma_semaphore, #tpu.memory_space<semaphore_mem>>) src(%arg7 : memref<4x4096xf32, #tpu.memory_space<vmem>>) dst(%dma_wait3A_269 : memref<4x4096xf32, #tpu.memory_space<hbm>>)
    return
  }
}

module attributes {stable_mosaic.version = 14 : i64} {
  func.func @_merge_kernel(%arg0: i32, %arg1: memref<256x4096xf32, #tpu.memory_space<vmem>>, %arg2: memref<4096x4096xf32, #tpu.memory_space<any>>, %arg3: memref<256x4096xf32, #tpu.memory_space<vmem>>) attributes {dimension_semantics = [#tpu.dimension_semantics<arbitrary>], iteration_bounds = array<i64: 1>, scalar_prefetch = 0 : i64, scratch_operands = 0 : i64, tpu.core_type = #tpu.core_type<tc>, window_params = [{transform_indices = @transform_0, window_bounds = array<i64: 256, 4096>}, {}, {transform_indices = @transform_2, window_bounds = array<i64: 256, 4096>}]} {
    %get3A = arith.constant 0 : index
    %get3A_0 = arith.constant 0 : index
    %get3A_1 = vector.load %arg1[%get3A, %get3A_0] : memref<256x4096xf32, #tpu.memory_space<vmem>>, vector<256x4096xf32>
    %swap3A = arith.constant 0 : index
    %swap3A_2 = arith.constant 0 : index
    %swap3A_3 = vector.load %arg3[%swap3A, %swap3A_2] : memref<256x4096xf32, #tpu.memory_space<vmem>>, vector<256x4096xf32>
    tpu.vector_store %arg3[%swap3A, %swap3A_2], %get3A_1 {strides = array<i32>} : memref<256x4096xf32, #tpu.memory_space<vmem>>, vector<256x4096xf32>,
    return
  }
  func.func @transform_0(%arg0: i32) -> (i32, i32) {
    %c0_i32 = arith.constant 0 : i32
    %c0_i32_0 = arith.constant 0 : i32
    return %arg0, %c0_i32 : i32, i32
  }
  func.func @transform_2(%arg0: i32) -> (i32, i32) {
    %add3A = arith.constant 15 : i32
    %add3A_0 = arith.addi %arg0, %add3A : i32
    %c0_i32 = arith.constant 0 : i32
    %c0_i32_1 = arith.constant 0 : i32
    return %add3A_0, %c0_i32 : i32, i32
  }
}

module attributes {stable_mosaic.version = 14 : i64} {
  func.func @_tc_block_kernel(%arg0: i32, %arg1: memref<1x1xf32, #tpu.memory_space<smem>>, %arg2: memref<256x4096xf32, #tpu.memory_space<vmem>>, %arg3: memref<256x4096xf32, #tpu.memory_space<vmem>>) attributes {dimension_semantics = [#tpu.dimension_semantics<parallel>], iteration_bounds = array<i64: 15>, scalar_prefetch = 0 : i64, scratch_operands = 0 : i64, tpu.core_type = #tpu.core_type<tc>, window_params = [{transform_indices = @transform_0, window_bounds = array<i64: 1, 1>}, {transform_indices = @transform_1, window_bounds = array<i64: 256, 4096>}, {transform_indices = @transform_2, window_bounds = array<i64: 256, 4096>}]} {
    %get3A = arith.constant 0 : index
    %get3A_0 = arith.constant 0 : index
    %get3A_1 = vector.load %arg2[%get3A, %get3A_0] : memref<256x4096xf32, #tpu.memory_space<vmem>>, vector<256x4096xf32>
    %get3A_2 = arith.constant 0 : index
    %get3A_3 = arith.constant 0 : index
    %get3A_4 = memref.load %arg1[%get3A_2, %get3A_3] : memref<1x1xf32, #tpu.memory_space<smem>>
    %iota3A = tpu.iota {dimensions = array<i32: 1>} : vector<256x4096xi32>
    %jit3A = arith.constant 3 : i32
    %eq3A = arith.constant 0 : i32
    %eq3A_5 = arith.cmpi eq, %jit3A, %eq3A : i32
    %jit3A_6 = arith.constant 1 : i32
    %select_n3A = arith.select %eq3A_5, %jit3A_6, %jit3A : i32
    %rem3A = vector.broadcast %select_n3A : i32 to vector<256x4096xi32>
    %rem3A_7 = arith.remsi %iota3A, %rem3A : vector<256x4096xi32>
    %ne3A = arith.constant 0 : i32
    %ne3A_8 = vector.broadcast %ne3A : i32 to vector<256x4096xi32>
    %ne3A_9 = arith.cmpi ne, %rem3A_7, %ne3A_8 : vector<256x4096xi32>
    %lt3A = arith.constant 0 : i32
    %lt3A_10 = vector.broadcast %lt3A : i32 to vector<256x4096xi32>
    %lt3A_11 = arith.cmpi slt, %rem3A_7, %lt3A_10 : vector<256x4096xi32>
    %lt3A_12 = arith.constant 0 : i32
    %lt3A_13 = arith.cmpi slt, %select_n3A, %lt3A_12 : i32
    %ne3A_14 = vector.broadcast %lt3A_13 : i1 to vector<256x4096xi1>
    %ne3A_15 = vector.broadcast %ne3A_14 : vector<256x4096xi1> to vector<256x4096xi1>
    %ne3A_16 = arith.xori %lt3A_11, %ne3A_15 : vector<256x4096xi1>
    %and3A = arith.andi %ne3A_16, %ne3A_9 : vector<256x4096xi1>
    %add3A = vector.broadcast %select_n3A : i32 to vector<256x4096xi32>
    %add3A_17 = arith.addi %rem3A_7, %add3A : vector<256x4096xi32>
    %select_n3A_18 = arith.select %and3A, %add3A_17, %rem3A_7 : vector<256x4096xi1>, vector<256x4096xi32>
    %eq3A_19 = arith.constant 1 : i32
    %eq3A_20 = vector.broadcast %eq3A_19 : i32 to vector<256x4096xi32>
    %eq3A_21 = arith.cmpi eq, %select_n3A_18, %eq3A_20 : vector<256x4096xi32>
    %add3A_22 = vector.broadcast %get3A_4 : f32 to vector<256x4096xf32>
    %add3A_23 = arith.addf %get3A_1, %add3A_22 : vector<256x4096xf32>
    %sub3A = arith.constant 1.000000e+00 : f32
    %sub3A_24 = vector.broadcast %sub3A : f32 to vector<256x4096xf32>
    %sub3A_25 = arith.subf %add3A_23, %sub3A_24 : vector<256x4096xf32>
    %gt3A = arith.constant 1.000000e+00 : f32
    %gt3A_26 = vector.broadcast %gt3A : f32 to vector<256x4096xf32>
    %gt3A_27 = arith.cmpf ogt, %sub3A_25, %gt3A_26 : vector<256x4096xf32>
    %sub3A_28 = arith.constant 2.000000e+00 : f32
    %sub3A_29 = vector.broadcast %sub3A_28 : f32 to vector<256x4096xf32>
    %sub3A_30 = arith.subf %sub3A_25, %sub3A_29 : vector<256x4096xf32>
    %select_n3A_31 = arith.select %gt3A_27, %sub3A_30, %sub3A_25 : vector<256x4096xi1>, vector<256x4096xf32>
    %select_n3A_32 = arith.select %eq3A_21, %select_n3A_31, %get3A_1 : vector<256x4096xi1>, vector<256x4096xf32>
    %swap3A = arith.constant 0 : index
    %swap3A_33 = arith.constant 0 : index
    %swap3A_34 = vector.load %arg3[%swap3A, %swap3A_33] : memref<256x4096xf32, #tpu.memory_space<vmem>>, vector<256x4096xf32>
    tpu.vector_store %arg3[%swap3A, %swap3A_33], %select_n3A_32 {strides = array<i32>} : memref<256x4096xf32, #tpu.memory_space<vmem>>, vector<256x4096xf32>,
    return
  }
  func.func @transform_0(%arg0: i32) -> (i32, i32) {
    %c0_i32 = arith.constant 0 : i32
    %c0_i32_0 = arith.constant 0 : i32
    %c0_i32_1 = arith.constant 0 : i32
    return %c0_i32, %c0_i32_0 : i32, i32
  }
  func.func @transform_1(%arg0: i32) -> (i32, i32) {
    %c0_i32 = arith.constant 0 : i32
    %c0_i32_0 = arith.constant 0 : i32
    return %arg0, %c0_i32 : i32, i32
  }
  func.func @transform_2(%arg0: i32) -> (i32, i32) {
    %c0_i32 = arith.constant 0 : i32
    %c0_i32_0 = arith.constant 0 : i32
    return %arg0, %c0_i32 : i32, i32
  }
}

</mosaic_0001>

<sc_bundles>
// kernel: kernel.5.cloned.1.call-start
scs
__scs_entry_jumppad:
0x0: {  	(pc) =	sbr.rel $0x88, $3  }
0x1: {  	(tag) =	ssettag $0x0;
	lr =	simm.s32 $0x1  }
0x2: {  	[smem:$0x3F9F] =	sst lr;
	_ =	strace $0xD0000000  }
0x3: {  	_ = 	snop  }
0x4: {  	_ = 	snop  }
0x5: {  	_ = 	snop  }
0x6: {  	_ = 	snop  }
0x7: {  	_ = 	snop  }
__scs_overlays_trampoline_lowered:
0x8: {  	[smem:$0x3FAE] =	sst s0  }
0x9: {  	[smem:$0x3FAF] =	sst s1  }
0xa: {  	[smem:$0x3FB0] =	sst s2  }
0xb: {  	[smem:$0x3FB1] =	sst s3  }
0xc: {  	[smem:$0x3FB2] =	sst s4  }
0xd: {  	[smem:$0x3FB3] =	sst s5  }
0xe: {  	[smem:$0x3FB4] =	sst s6  }
0xf: {  	[smem:$0x3FB5] =	sst s7  }
0x10: {  	[smem:$0x3FB6] =	sst s8  }
0x11: {  	[smem:$0x3FB7] =	sst s9;
	s0 =	simm.s32 @!p0 $0x0  }
0x12: {  	s1 =	sld [smem:$0x3F9D];
	s0 =	simm.s32 @p0 $0x1  }
0x13: {  	[smem:$0x3FB8] =	sst s0;
	s0 =	simm.s32 @!p1 $0x0  }
0x14: {  	s2 =	sld [smem:$0x3F9C];
	s0 =	simm.s32 @p1 $0x1  }
0x15: {  	[smem:$0x3FB9] =	sst s0;
	s0 =	simm.s32 @!p2 $0x0  }
0x16: {  	s3 =	sld [smem:$0x3FDB];
	s0 =	simm.s32 @p2 $0x1  }
0x17: {  	s4 =	simm.s32 $0x1BF5;
	[smem:$0x3FBB] =	sst s0  }
0x18: {  	s0 =	sld [smem:$0x3F9E];
	_ =	swait.ge [sflag:s4], $0x0  }
0x19: {  	s7 =	sld [smem:$0x3F9F]  }
0x1a: {  	s8 =	sadd.s32 $0xFFFFE003, lr  }
0x1b: {  	s9 =	sadd.s32 $0xFFFFFEF7, lr;
	s5 =	simm.s32 $0xFFFFFFFF;
	p2 =	slt.u32 s8, $0xFFFFF086  }
0x1c: {  	p1 =	slt.u32 s9, $0xF7A;
	s5 =	simm.s32 @!p2 $0x0  }
0x1d: {  	s5 =	simm.s32 @p1 $0x1;
	p0 =	seq.s32 s7, s2  }
0x1e: {  	s7 =	smul.u32 @!p0 $0xF7A, s2;
	p2 =	seq.s32 @!p0 s5, $0x0  }
0x1f: {  	s9 =	smul.u32 $0xF7A, s1;
	s8 =	simm.s32 @!p0 $0x1BF5;
	p2 =	por !p2, p0  }
0x20: {  	[sflag:s8] =	ssyncset.s32 @!p0 $0xFFFFF086;
	s6 =	sadd.s32 @!p0 s3, s7;
	s7 =	simm.s32 @!p0 $0x108  }
0x21: {  	s3 =	sadd.s32 s3, s9;
	s6 =	sadd.s32 @!p0 $0x88, s6;
	s7 =	simm.s32 @p2 $0x1082  }
0x22: {  	[simem:s7], [sflag:s8] =	dma.local @!p0 [hbm:s6], $0xF7A  }
0x23: {  	s9 =	sor.u32 $0xD0000000, s2;
	s6 =	simm.s32 $0x108;
	_ =	swait.ge @!p0 [sflag:s8], $0x0  }
0x24: {  	s3 =	sadd.s32 $0x88, s3;
	s6 =	simm.s32 @!p1 $0x1082;
	[sflag:s4] =	ssyncset.s32 $0xFFFFF086  }
0x25: {  	[simem:s6], [sflag:s4] =	dma.local [hbm:s3], $0xF7A  }
0x26: {  	[smem:$0x3F9F] =	sst s1;
	(tag) =	ssettag s2;
	_ =	strace s9  }
0x27: {  	s1 =	sld [smem:$0x3FAF]  }
0x28: {  	s2 =	sld [smem:$0x3FB0]  }
0x29: {  	s4 =	sld [smem:$0x3FB2]  }
0x2a: {  	p0 =	seq.s32 s5, $0x0;
	s5 =	sld [smem:$0x3FB3]  }
0x2b: {  	s6 =	sld [smem:$0x3FB4]  }
0x2c: {  	s7 =	sld [smem:$0x3FB5]  }
0x2d: {  	s3 =	simm.s32 $0x108;
	s8 =	sld [smem:$0x3FB6]  }
0x2e: {  	s3 =	simm.s32 @!p0 $0x1082;
	s9 =	sld [smem:$0x3FB7]  }
0x2f: {  	lr =	sadd.s32 s0, s3;
	s0 =	sld [smem:$0x3FAE]  }
0x30: {  	s3 =	sld [smem:$0x3FB1]  }
0x31: {  	[smem:$0x3FBA] =	sst s10  }
0x32: {  	s10 =	sld [smem:$0x3FB8];
	_ =	sdelay $0x3  }
0x33: {  	p0 =	seq.s32 s10, $0x1;
	s10 =	sld [smem:$0x3FBA];
	_ =	sdelay $0x3  }
0x34: {  	[smem:$0x3FBA] =	sst s10  }
0x35: {  	s10 =	sld [smem:$0x3FB9];
	_ =	sdelay $0x3  }
0x36: {  	p1 =	seq.s32 s10, $0x1;
	s10 =	sld [smem:$0x3FBA];
	_ =	sdelay $0x3  }
0x37: {  	[smem:$0x3FBA] =	sst s10  }
0x38: {  	s10 =	sld [smem:$0x3FBB]  }
0x39: {  	_ = 	snop;
	(pc) =	sbr.ind lr, $3  }
0x3a: {  	_ = 	snop  }
0x3b: {  	_ = 	snop  }
0x3c: {  	p2 =	seq.s32 s10, $0x1;
	s10 =	sld [smem:$0x3FBA]  }
0x3d: {  	_ =	shalt  }
0x3e: {  	_ =	shalt  }
0x3f: {  	_ =	shalt  }
0x40: {  	_ =	shalt  }
0x41: {  	_ =	shalt  }
0x42: {  	_ =	shalt  }
0x43: {  	_ =	shalt  }
0x44: {  	_ =	shalt  }
0x45: {  	_ =	shalt  }
0x46: {  	_ =	shalt  }
0x47: {  	_ =	shalt  }
0x48: {  	_ =	shalt  }
0x49: {  	_ =	shalt  }
0x4a: {  	_ =	shalt  }
0x4b: {  	_ =	shalt  }
0x4c: {  	_ =	shalt  }
0x4d: {  	_ =	shalt  }
0x4e: {  	_ =	shalt  }
0x4f: {  	_ =	shalt  }
0x50: {  	_ =	shalt  }
0x51: {  	_ =	shalt  }
0x52: {  	_ =	shalt  }
0x53: {  	_ =	shalt  }
0x54: {  	_ =	shalt  }
0x55: {  	_ =	shalt  }
0x56: {  	_ =	shalt  }
0x57: {  	_ =	shalt  }
0x58: {  	_ =	shalt  }
0x59: {  	_ =	shalt  }
0x5a: {  	_ =	shalt  }
0x5b: {  	_ =	shalt  }
0x5c: {  	_ =	shalt  }
0x5d: {  	_ =	shalt  }
0x5e: {  	_ =	shalt  }
0x5f: {  	_ =	shalt  }
0x60: {  	_ =	shalt  }
0x61: {  	_ =	shalt  }
0x62: {  	_ =	shalt  }
0x63: {  	_ =	shalt  }
0x64: {  	_ =	shalt  }
0x65: {  	_ =	shalt  }
0x66: {  	_ =	shalt  }
0x67: {  	_ =	shalt  }
0x68: {  	_ =	shalt  }
0x69: {  	_ =	shalt  }
0x6a: {  	_ =	shalt  }
0x6b: {  	_ =	shalt  }
0x6c: {  	_ =	shalt  }
0x6d: {  	_ =	shalt  }
0x6e: {  	_ =	shalt  }
0x6f: {  	_ =	shalt  }
0x70: {  	_ =	shalt  }
0x71: {  	_ =	shalt  }
0x72: {  	_ =	shalt  }
0x73: {  	_ =	shalt  }
0x74: {  	_ =	shalt  }
0x75: {  	_ =	shalt  }
0x76: {  	_ =	shalt  }
0x77: {  	_ =	shalt  }
0x78: {  	_ =	shalt  }
0x79: {  	_ =	shalt  }
0x7a: {  	_ =	shalt  }
0x7b: {  	_ =	shalt  }
0x7c: {  	_ =	shalt  }
0x7d: {  	_ =	shalt  }
0x7e: {  	_ =	shalt  }
0x7f: {  	_ =	shalt  }
0x80: {  	_ =	shalt  }
0x81: {  	_ =	shalt  }
0x82: {  	_ =	shalt  }
0x83: {  	_ =	shalt  }
0x84: {  	_ =	shalt  }
0x85: {  	_ =	shalt  }
0x86: {  	_ =	shalt  }
0x87: {  	_ =	shalt  }
.Lfunc_end0:
.L_simem_size_0:
called_computation_lowered:
.L_overlay_start_0:
0x88: {  	s2 =	sld [smem:$0x3FD9]  }
0x89: {  	s3 =	sld [smem:$0x3FFE];
	_ =	sdelay $0x1  }
0x8a: {  	s1 =	srdreg.scid  }
0x8b: {  	s0 =	sand.u32 $0x1, s1  }
0x8c: {  	s17 =	sshll.u32 s0, $0xA;
	s2 =	sadd.s32 s3, s2  }
0x8d: {  	s2 =	sadd.s32 s2, s17  }
0x8e: {  	[smem:$0x3FC6] =	sst s2  }
0x8f: {  	_ = 	snop  }
0x90: {  	s2 =	sld [smem:$0x3FC9];
	(tm) =	ssettm $0x1  }
0x91: {  	s18 =	sld [smem:$0x3FFB];
	_ =	sdelay $0x3  }
0x92: {  	_ =	strace s18  }
0x93: {  	s3 =	sld [smem:$0x3FFC];
	_ =	sdelay $0x3  }
0x94: {  	_ =	strace s3  }
0x95: {  	s3 =	sld [smem:$0x3FFD];
	_ =	sdelay $0x3  }
0x96: {  	_ =	strace s3  }
0x97: {  	_ =	strace $0x8FFFFFFF  }
0x98: {  	s19 =	sld [smem:$0x3FDB];
	_ =	sdelay $0x1  }
0x99: {  	s4 =	simm.s32 $_scs_section_size  }
0x9a: {  	s5 =	simm.s32 $_size__tile_overlayer_lowered;
	s6 =	simm.s32 $_tile_overlayer_lowered  }
0x9b: {  	s22 =	simm.s32 $0x1BFF;
	s21 =	sshll.u32 s6, $0x1;
	s3 =	sadd.s32 s4, s19  }
0x9c: {  	s7 =	simm.s32 $0x0;
	s20 =	sshll.u32 s5, $0x1;
	s5 =	sadd.s32 s21, s3  }
0x9d: {  	[timem:s7], [sflag:s22] =	dma.local [hbm:s5], s20  }
0x9e: {  	_ =	swait.ge [sflag:s22], s20  }
0x9f: {  	s4 =	ssub.s32 $0x0, s20;
	[sflag:s22] =	ssyncset.done $0x0  }
0xa0: {  	[sflag:s22] =	ssyncadd.s32 s4;
	_ =	sdelay $0x1  }
0xa1: {  	s23 =	simm.s32 $0x1B8B  }
0xa2: {  	_ =	swait.ge [sflag:s23], $0x1  }
0xa3: {  	[sflag:s23] =	ssyncset.done $0x0  }
0xa4: {  	s25 =	simm.s32 $0x1B8E;
	s24 =	sld [smem:$0x3FFE];
	[sflag:s23] =	ssyncadd.s32 $0xFFFFFFFF  }
0xa5: {  	s26 =	simm.s32 $execute0_lowered;
	[smem:$0x3FD2] =	sst s25  }
0xa6: {  	s5 =	sshll.u32 s26, $0x1;
	_ =	strace $0x80000046;
	[dreg:$0x1] =	wrdreg $0xFFFFFFFF  }
0xa7: {  	s28 =	simm.s32 $_size_execute0_lowered;
	s3 =	sadd.s32 s3, s5;
	[dreg:$0x0] =	wrdreg $0x0  }
0xa8: {  	s5 =	sshll.u32 s28, $0x1;
	[dreg:$0x2] =	wrdreg s3  }
0xa9: {  	[dreg:$0x3] =	wrdreg s5  }
0xaa: {  	[dreg:$0x4] =	wrdreg $0xC0  }
0xab: {  	_ =	task [dreg:s7], $0x5FFFF  }
0xac: {  	[dreg:$0x1] =	wrdreg $0xFFFFFFFF  }
0xad: {  	[dreg:$0x0] =	wrdreg $0x60  }
0xae: {  	[dreg:$0x2] =	wrdreg s24  }
0xaf: {  	[dreg:$0x3] =	wrdreg s2  }
0xb0: {  	[dreg:$0x4] =	wrdreg $0x9  }
0xb1: {  	_ =	task.clear_ibuf [dreg:s7], $0x5FFFF;
	_ =	strace $0x90000046  }
0xb2: {  	s29 =	simm.s32 $0x9;
	_ =	strace $0x80000048  }
0xb3: {  	_ =	swait.ge [sflag:s29], $0x1  }
0xb4: {  	[sflag:s29] =	ssyncadd.s32 $0xFFFFFFFF  }
0xb5: {  	_ =	strace $0x90000048  }
0xb6: {  	_ =	sfence  }
0xb7: {  	s30 =	sld [smem:$0x0];
	_ =	sdelay $0x2  }
0xb8: {  	s31 =	sshll.u32 s1, $0xD;
	s1 =	sshrl.u32 s1, $0x2  }
0xb9: {  	s3 =	sand.u32 $0x4000, s31;
	s1 =	sadd.s32 s1, s30  }
0xba: {  	s0 =	sor.u32 s3, s0;
	s1 =	sshll.u32 s1, $0x11  }
0xbb: {  	s0 =	sor.u32 s1, s0  }
0xbc: {  	s0 =	sadd.s32 $0x8F2B, s0  }
0xbd: {  	[sflag:s0] =	ssyncadd.remote.s32 $0x1  }
0xbe: {  	_ =	sfence.sel $0xFFFF  }
0xbf: {  	[dreg:$0x0] =	wrdreg $0xFFFFFFFF;
	(pc) =	sbr.abs _section_cstart, $3  }
0xc0: {  	[dreg:$0x1] =	wrdreg $0xFFFFFFFF  }
0xc1: {  	_ =	task.clear_ibuf [dreg:s7], $0x2FFFF;
	_ =	strace $0x9FFFFFFF  }
0xc2: {  	(tm) =	ssettm $0x7FFFFFFF  }
0xc3: {  	_ =	shalt  }
tec
execute0_lowered:
.L_overlay_start_1:
0x0: {  	(tag) =	ssettag $0x1  }
0x1: {  	v0 =	vimm.s32 $0x401E;
	vm14 =	vcmask $0x300  }
0x2: {  	vm13 =	vcmask $0x704;
	v0 =	vsel vm14, $0x3E71, v0  }
0x3: {  	vm12 =	vcmask $0xB08;
	v0 =	vsel vm13, $0x3E74, v0  }
0x4: {  	vm11 =	vcmask $0xF0C;
	v0 =	vsel vm12, $0x3E77, v0  }
0x5: {  	vm10 =	vcmask $0x1310;
	v0 =	vsel vm11, $0x3E7A, v0  }
0x6: {  	vm9 =	vcmask $0x1714;
	v0 =	vsel vm10, $0x3E7D, v0  }
0x7: {  	vm8 =	vcmask $0x1B18;
	v0 =	vsel vm9, $0x4000, v0  }
0x8: {  	vm7 =	vcmask $0x1F1C;
	v0 =	vsel vm8, $0x4003, v0  }
0x9: {  	vm6 =	vcmask $0x2320;
	v0 =	vsel vm7, $0x4006, v0  }
0xa: {  	vm5 =	vcmask $0x2724;
	v0 =	vsel vm6, $0x4009, v0  }
0xb: {  	vm4 =	vcmask $0x2B28;
	v0 =	vsel vm5, $0x400C, v0  }
0xc: {  	vm3 =	vcmask $0x2F2C;
	v1 =	vlaneseq.u32;
	v0 =	vsel vm4, $0x400F, v0  }
0xd: {  	vm2 =	vcmask $0x3330;
	vm1 =	vcmask $0x3734;
	v0 =	vsel vm3, $0x4012, v0  }
0xe: {  	vm0 =	vcmask $0x3B38;
	v1 =	vmul.u32 $0x3, v1;
	v0 =	vsel vm2, $0x4015, v0  }
0xf: {  	v3 =	vimm.s32 $0x411E;
	v4 =	vimm.s32 $0x419E;
	v2 =	vsel vm1, $0x4018, v0  }
0x10: {  	v0 =	vadd.s32 $0x1, v1;
	v1 =	vsel vm0, $0x401B, v2;
	v2 =	vimm.s32 $0x409E  }
0x11: {  	v3 =	vsel vm14, $0x3F71, v3;
	v4 =	vsel vm14, $0x3FF1, v4;
	v2 =	vsel vm14, $0x3EF1, v2  }
0x12: {  	v3 =	vsel vm13, $0x3F74, v3;
	v4 =	vsel vm13, $0x3FF4, v4;
	v2 =	vsel vm13, $0x3EF4, v2  }
0x13: {  	s4 =	rddreg [dreg:$0x0];
	v3 =	vsel vm12, $0x3F77, v3;
	v4 =	vsel vm12, $0x3FF7, v4;
	v2 =	vsel vm12, $0x3EF7, v2  }
0x14: {  	s5 =	rddreg [dreg:$0x1];
	v3 =	vsel vm11, $0x3F7A, v3;
	v4 =	vsel vm11, $0x3FFA, v4;
	v2 =	vsel vm11, $0x3EFA, v2  }
0x15: {  	s0 =	rddreg [dreg:$0x2];
	v3 =	vsel vm10, $0x3F7D, v3;
	v4 =	vsel vm10, $0x3FFD, v4;
	v2 =	vsel vm10, $0x3EFD, v2  }
0x16: {  	s3 =	srdreg.scid;
	s2 =	simm.s32 $0x0;
	s1 =	stileid.u32;
	v3 =	vsel vm9, $0x4100, v3;
	v4 =	vsel vm9, $0x4180, v4;
	v2 =	vsel vm9, $0x4080, v2  }
0x17: {  	s9 =	simm.s32 $0x5;
	s10 =	simm.s32 $0x200;
	s11 =	simm.s32 $0x400;
	v3 =	vsel vm8, $0x4103, v3;
	v4 =	vsel vm8, $0x4183, v4;
	v2 =	vsel vm8, $0x4083, v2  }
0x18: {  	s12 =	simm.s32 $0x80;
	s13 =	simm.s32 $0x4080;
	s14 =	simm.s32 $0x1;
	v3 =	vsel vm7, $0x4106, v3;
	v4 =	vsel vm7, $0x4186, v4;
	v2 =	vsel vm7, $0x4086, v2  }
0x19: {  	s15 =	simm.s32 $0x2;
	s16 =	simm.s32 $0x3;
	s17 =	simm.s32 $0x4;
	v3 =	vsel vm6, $0x4109, v3;
	v4 =	vsel vm6, $0x4189, v4;
	v2 =	vsel vm6, $0x4089, v2  }
0x1a: {  	s18 =	simm.s32 $0x0;
	s6 =	sand.u32 $0x1, s3;
	[smem:$0x7FF] =	sst s2;
	v3 =	vsel vm5, $0x410C, v3;
	v4 =	vsel vm5, $0x418C, v4;
	v2 =	vsel vm5, $0x408C, v2  }
0x1b: {  	s31 =	sshll.u32 s1, $0xD;
	s3 =	sadd.s32 $0x800, s4;
	s7 =	sshll.u32 s6, $0xC;
	v3 =	vsel vm4, $0x410F, v3;
	v4 =	vsel vm4, $0x418F, v4;
	v2 =	vsel vm4, $0x408F, v2  }
0x1c: {  	_ =	strace $0x80000047;
	s6 =	ssub.s32 $0x2, s6;
	s7 =	sor.u32 s7, s31;
	v3 =	vsel vm3, $0x4112, v3;
	v4 =	vsel vm3, $0x4192, v4;
	v2 =	vsel vm3, $0x4092, v2  }
0x1d: {  	s8 =	sshrl.u32 s6, $0x1;
	s5 =	sadd.s32 s7, s5;
	s7 =	sadd.s32 s7, s4;
	v3 =	vsel vm2, $0x4115, v3;
	v4 =	vsel vm2, $0x4195, v4;
	v2 =	vsel vm2, $0x4095, v2  }
0x1e: {  	s8 =	ssub.s32 s6, s8;
	s4 =	sadd.s32 $0x1E0000, s5;
	s5 =	sadd.s32 $0x1E0040, s5;
	v3 =	vsel vm1, $0x4118, v3;
	v4 =	vsel vm1, $0x4198, v4;
	v2 =	vsel vm1, $0x4098, v2  }
0x1f: {  	s6 =	sadd.s32 $0xA00, s7;
	s7 =	sadd.s32 $0xA40, s7;
	s8 =	smax.u32 s8, $0x1;
	v3 =	vsel vm0, $0x411B, v3;
	v4 =	vsel vm0, $0x419B, v4;
	v2 =	vsel vm0, $0x409B, v2  }
.LBB2_1:
0x20: {  	[tilespmem:s2], [sflag:$0x5] =	stream.linear.gather [hbm4b:s3+s2], $0x80, $0x38;
	[tilespmem:$0x8080] =	vst v63  }
0x21: {  	_ =	swait.ge [sflag:s9], $0x80  }
0x22: {  	[sflag:s9] =	ssyncset.done $0x0  }
0x23: {  	v6 =	vshll.u32 v0, $0x2;
	[sflag:s9] =	ssyncadd.s32 $0xFFFFFF80  }
0x24: {  	v7 =	vand.u32 $0x7F, v0;
	v8 =	vand.u32 $0xFFFFFE00, v6;
	v5 =	vld [tilespmem:$0x0];
	[tilespmem:s12], [sflag:$0x1] =	stream.strided.gather [hbm4b:s4+s10], $0x4000, s11, s10, $0x38  }
0x25: {  	v6 =	vor.u32 v7, v8  }
0x26: {  	[tilespmem:s13], [sflag:$0x2] =	stream.strided.gather [hbm4b:s5+s10], $0x4000, s11, s10, $0x38;
	[tilespmem:$0x8080] =	vst v63  }
0x27: {  	_ =	swait.ge [sflag:s14], $0x4000  }
0x28: {  	[sflag:s14] =	ssyncset.done $0x0  }
0x29: {  	[sflag:s14] =	ssyncadd.s32 $0xFFFFC000  }
0x2a: {  	v9 =	vld.idx.msk [tilespmem:v6+s12+$0x0], $0xffff;
	_ =	sdelay $0x4  }
0x2b: {  	v10 =	vadd.s32 $0x30, v0;
	v11 =	vadd.f32 v9, v5  }
0x2c: {  	s19 =	simm.s32 $0x53;
	v12 =	vshll.u32 v10, $0x2;
	v9 =	vmov v6  }
.LBB2_2:
0x2d: {  	p0 =	sne.s32 s19, $0x1;
	v13 =	vand.u32 $0x7F, v10;
	v12 =	vand.u32 $0xFFFFFE00, v12;
	v11 =	vadd.f32 $-1.000000000e+00, v11  }
0x2e: {  	v12 =	vor.u32 v13, v12  }
0x2f: {  	v13 =	vadd.f32 $-2.000000000e+00, v11  }
0x30: {  	vm0 =	vgt.f32 v11, $1.000000000e+00  }
0x31: {  	v11 =	vsel vm0, v13, v11  }
0x32: {  	[tilespmem:v9+s12+$0x0] =	vst.idx.msk $0xffff, v11;
	v9 =	vmov v12  }
0x33: {  	v11 =	vld.idx.msk [tilespmem:v12+s12+$0x0], $0xffff;
	_ =	sdelay $0x2  }
.Ltmp0:
0x34: {  	(pc) =	sbr.rel @p0 .LBB2_2-.Ltmp0, $3  }
0x35: {  	_ =	sdelay $0x1  }
0x36: {  	v10 =	vadd.s32 $0x30, v10;
	v11 =	vadd.f32 v11, v5  }
0x37: {  	s19 =	sadd.s32 $0xFFFFFFFF, s19;
	v12 =	vshll.u32 v10, $0x2  }
0x38: {  	v10 =	vand.u32 $0x7F, v10;
	v12 =	vand.u32 $0xFFFFFE00, v12;
	v11 =	vadd.f32 $-1.000000000e+00, v11  }
0x39: {  	v10 =	vor.u32 v10, v12  }
0x3a: {  	v12 =	vadd.f32 $-2.000000000e+00, v11  }
0x3b: {  	vm0 =	vgt.f32 v11, $1.000000000e+00  }
0x3c: {  	v11 =	vsel vm0, v12, v11  }
0x3d: {  	[tilespmem:v9+s12+$0x0] =	vst.idx.msk $0xffff, v11  }
0x3e: {  	v9 =	vld.idx.msk [tilespmem:v10+s12+$0x0], $0xffff;
	_ =	sdelay $0x4  }
0x3f: {  	v9 =	vadd.f32 v9, v5;
	_ =	sdelay $0x1  }
0x40: {  	v9 =	vadd.f32 $-1.000000000e+00, v9;
	_ =	sdelay $0x1  }
0x41: {  	v11 =	vadd.f32 $-2.000000000e+00, v9  }
0x42: {  	vm14 =	vgt.f32 v9, $1.000000000e+00  }
0x43: {  	v9 =	vsel vm14, v11, v9  }
0x44: {  	[tilespmem:v10+s12+$0x0] =	vst.idx.msk $0xffff, v9  }
0x45: {  	v9 =	vld.idx.msk [tilespmem:v1+s12+$0x0], $0x1f;
	_ =	sdelay $0x4  }
0x46: {  	v9 =	vadd.f32 v9, v5;
	_ =	sdelay $0x1  }
0x47: {  	v10 =	vadd.f32 $-1.000000000e+00, v9;
	v9 =	vor.u32 v8, v7  }
0x48: {  	v7 =	vor.u32 $0x80, v9  }
0x49: {  	v8 =	vadd.f32 $-2.000000000e+00, v10  }
0x4a: {  	vm15 =	vgt.f32 v10, $1.000000000e+00  }
0x4b: {  	v8 =	vsel vm15, v8, v10  }
0x4c: {  	[tilespmem:v1+s12+$0x0] =	vst.idx.msk $0x1f, v8  }
0x4d: {  	v8 =	vld.idx.msk [tilespmem:v7+s12+$0x0], $0xffff;
	_ =	sdelay $0x3  }
0x4e: {  	v10 =	vadd.s32 $0x30, v0  }
0x4f: {  	s19 =	simm.s32 $0x53;
	v12 =	vshll.u32 v10, $0x2;
	v11 =	vadd.f32 v8, v5;
	v8 =	vmov v7  }
.LBB2_4:
0x50: {  	p0 =	sne.s32 s19, $0x1;
	v13 =	vand.u32 $0x7F, v10;
	v12 =	vand.u32 $0xFFFFFE00, v12  }
0x51: {  	v12 =	vor.u32 v12, v13;
	v11 =	vadd.f32 $-1.000000000e+00, v11  }
0x52: {  	v12 =	vor.u32 $0x80, v12  }
0x53: {  	v13 =	vadd.f32 $-2.000000000e+00, v11  }
0x54: {  	vm0 =	vgt.f32 v11, $1.000000000e+00  }
0x55: {  	v11 =	vsel vm0, v13, v11  }
0x56: {  	[tilespmem:v8+s12+$0x0] =	vst.idx.msk $0xffff, v11;
	v8 =	vmov v12  }
0x57: {  	v11 =	vld.idx.msk [tilespmem:v12+s12+$0x0], $0xffff;
	_ =	sdelay $0x1  }
.Ltmp1:
0x58: {  	(pc) =	sbr.rel @p0 .LBB2_4-.Ltmp1, $3  }
0x59: {  	_ =	sdelay $0x1  }
0x5a: {  	v10 =	vadd.s32 $0x30, v10  }
0x5b: {  	s19 =	sadd.s32 $0xFFFFFFFF, s19;
	v12 =	vshll.u32 v10, $0x2;
	v11 =	vadd.f32 v11, v5  }
0x5c: {  	v10 =	vand.u32 $0x7F, v10;
	v12 =	vand.u32 $0xFFFFFE00, v12  }
0x5d: {  	v10 =	vor.u32 v12, v10;
	v11 =	vadd.f32 $-1.000000000e+00, v11  }
0x5e: {  	v10 =	vor.u32 $0x80, v10  }
0x5f: {  	v12 =	vadd.f32 $-2.000000000e+00, v11  }
0x60: {  	vm0 =	vgt.f32 v11, $1.000000000e+00  }
0x61: {  	v11 =	vsel vm0, v12, v11  }
0x62: {  	[tilespmem:v8+s12+$0x0] =	vst.idx.msk $0xffff, v11  }
0x63: {  	v8 =	vld.idx.msk [tilespmem:v10+s12+$0x0], $0xffff;
	_ =	sdelay $0x4  }
0x64: {  	v8 =	vadd.f32 v8, v5;
	_ =	sdelay $0x1  }
0x65: {  	v8 =	vadd.f32 $-1.000000000e+00, v8;
	_ =	sdelay $0x1  }
0x66: {  	v11 =	vadd.f32 $-2.000000000e+00, v8  }
0x67: {  	vm14 =	vgt.f32 v8, $1.000000000e+00  }
0x68: {  	v8 =	vsel vm14, v11, v8  }
0x69: {  	[tilespmem:v10+s12+$0x0] =	vst.idx.msk $0xffff, v8  }
0x6a: {  	v8 =	vld.idx.msk [tilespmem:v2+s12+$0x0], $0x1f;
	_ =	sdelay $0x4  }
0x6b: {  	v8 =	vadd.f32 v8, v5;
	_ =	sdelay $0x1  }
0x6c: {  	v10 =	vadd.f32 $-1.000000000e+00, v8  }
0x6d: {  	v8 =	vor.u32 $0x100, v9  }
0x6e: {  	v11 =	vadd.f32 $-2.000000000e+00, v10  }
0x6f: {  	vm15 =	vgt.f32 v10, $1.000000000e+00  }
0x70: {  	v10 =	vsel vm15, v11, v10  }
0x71: {  	[tilespmem:v2+s12+$0x0] =	vst.idx.msk $0x1f, v10  }
0x72: {  	v10 =	vld.idx.msk [tilespmem:v8+s12+$0x0], $0xffff;
	_ =	sdelay $0x3  }
0x73: {  	v11 =	vadd.s32 $0x30, v0  }
0x74: {  	s19 =	simm.s32 $0x53;
	v13 =	vshll.u32 v11, $0x2;
	v12 =	vadd.f32 v10, v5;
	v10 =	vmov v8  }
.LBB2_6:
0x75: {  	p0 =	sne.s32 s19, $0x1;
	v14 =	vand.u32 $0x7F, v11;
	v13 =	vand.u32 $0xFFFFFE00, v13  }
0x76: {  	v13 =	vor.u32 v13, v14;
	v12 =	vadd.f32 $-1.000000000e+00, v12  }
0x77: {  	v13 =	vor.u32 $0x100, v13  }
0x78: {  	v14 =	vadd.f32 $-2.000000000e+00, v12  }
0x79: {  	vm0 =	vgt.f32 v12, $1.000000000e+00  }
0x7a: {  	v12 =	vsel vm0, v14, v12  }
0x7b: {  	[tilespmem:v10+s12+$0x0] =	vst.idx.msk $0xffff, v12;
	v10 =	vmov v13  }
0x7c: {  	v12 =	vld.idx.msk [tilespmem:v13+s12+$0x0], $0xffff;
	_ =	sdelay $0x1  }
.Ltmp2:
0x7d: {  	(pc) =	sbr.rel @p0 .LBB2_6-.Ltmp2, $3  }
0x7e: {  	_ =	sdelay $0x1  }
0x7f: {  	v11 =	vadd.s32 $0x30, v11  }
0x80: {  	s19 =	sadd.s32 $0xFFFFFFFF, s19;
	v13 =	vshll.u32 v11, $0x2;
	v12 =	vadd.f32 v12, v5  }
0x81: {  	v11 =	vand.u32 $0x7F, v11;
	v13 =	vand.u32 $0xFFFFFE00, v13  }
0x82: {  	v11 =	vor.u32 v13, v11;
	v12 =	vadd.f32 $-1.000000000e+00, v12  }
0x83: {  	v11 =	vor.u32 $0x100, v11  }
0x84: {  	v13 =	vadd.f32 $-2.000000000e+00, v12  }
0x85: {  	vm0 =	vgt.f32 v12, $1.000000000e+00  }
0x86: {  	v12 =	vsel vm0, v13, v12  }
0x87: {  	[tilespmem:v10+s12+$0x0] =	vst.idx.msk $0xffff, v12  }
0x88: {  	v10 =	vld.idx.msk [tilespmem:v11+s12+$0x0], $0xffff;
	_ =	sdelay $0x4  }
0x89: {  	v10 =	vadd.f32 v10, v5;
	_ =	sdelay $0x1  }
0x8a: {  	v10 =	vadd.f32 $-1.000000000e+00, v10;
	_ =	sdelay $0x1  }
0x8b: {  	v12 =	vadd.f32 $-2.000000000e+00, v10  }
0x8c: {  	vm14 =	vgt.f32 v10, $1.000000000e+00  }
0x8d: {  	v10 =	vsel vm14, v12, v10  }
0x8e: {  	[tilespmem:v11+s12+$0x0] =	vst.idx.msk $0xffff, v10  }
0x8f: {  	v10 =	vld.idx.msk [tilespmem:v3+s12+$0x0], $0x1f;
	_ =	sdelay $0x4  }
0x90: {  	v10 =	vadd.f32 v10, v5;
	_ =	sdelay $0x1  }
0x91: {  	v10 =	vadd.f32 $-1.000000000e+00, v10  }
0x92: {  	v9 =	vor.u32 $0x180, v9  }
0x93: {  	v11 =	vadd.f32 $-2.000000000e+00, v10  }
0x94: {  	vm15 =	vgt.f32 v10, $1.000000000e+00  }
0x95: {  	v10 =	vsel vm15, v11, v10  }
0x96: {  	[tilespmem:v3+s12+$0x0] =	vst.idx.msk $0x1f, v10  }
0x97: {  	v10 =	vld.idx.msk [tilespmem:v9+s12+$0x0], $0xffff;
	_ =	sdelay $0x3  }
0x98: {  	v11 =	vadd.s32 $0x30, v0  }
0x99: {  	s19 =	simm.s32 $0x53;
	v13 =	vshll.u32 v11, $0x2;
	v12 =	vadd.f32 v10, v5;
	v10 =	vmov v9  }
.LBB2_8:
0x9a: {  	p0 =	sne.s32 s19, $0x1;
	v14 =	vand.u32 $0x7F, v11;
	v13 =	vand.u32 $0xFFFFFE00, v13  }
0x9b: {  	v13 =	vor.u32 v13, v14;
	v12 =	vadd.f32 $-1.000000000e+00, v12  }
0x9c: {  	v13 =	vor.u32 $0x180, v13  }
0x9d: {  	v14 =	vadd.f32 $-2.000000000e+00, v12  }
0x9e: {  	vm0 =	vgt.f32 v12, $1.000000000e+00  }
0x9f: {  	v12 =	vsel vm0, v14, v12  }
0xa0: {  	[tilespmem:v10+s12+$0x0] =	vst.idx.msk $0xffff, v12;
	v10 =	vmov v13  }
0xa1: {  	v12 =	vld.idx.msk [tilespmem:v13+s12+$0x0], $0xffff;
	_ =	sdelay $0x1  }
.Ltmp3:
0xa2: {  	(pc) =	sbr.rel @p0 .LBB2_8-.Ltmp3, $3  }
0xa3: {  	_ =	sdelay $0x1  }
0xa4: {  	v11 =	vadd.s32 $0x30, v11  }
0xa5: {  	s19 =	sadd.s32 $0xFFFFFFFF, s19;
	v13 =	vshll.u32 v11, $0x2;
	v12 =	vadd.f32 v12, v5  }
0xa6: {  	v11 =	vand.u32 $0x7F, v11;
	v13 =	vand.u32 $0xFFFFFE00, v13  }
0xa7: {  	v11 =	vor.u32 v13, v11;
	v12 =	vadd.f32 $-1.000000000e+00, v12  }
0xa8: {  	v11 =	vor.u32 $0x180, v11  }
0xa9: {  	v13 =	vadd.f32 $-2.000000000e+00, v12  }
0xaa: {  	vm0 =	vgt.f32 v12, $1.000000000e+00  }
0xab: {  	v12 =	vsel vm0, v13, v12  }
0xac: {  	[tilespmem:v10+s12+$0x0] =	vst.idx.msk $0xffff, v12  }
0xad: {  	v10 =	vld.idx.msk [tilespmem:v11+s12+$0x0], $0xffff;
	_ =	sdelay $0x4  }
0xae: {  	v10 =	vadd.f32 v10, v5;
	_ =	sdelay $0x1  }
0xaf: {  	v10 =	vadd.f32 $-1.000000000e+00, v10;
	_ =	sdelay $0x1  }
0xb0: {  	v12 =	vadd.f32 $-2.000000000e+00, v10  }
0xb1: {  	vm14 =	vgt.f32 v10, $1.000000000e+00  }
0xb2: {  	v10 =	vsel vm14, v12, v10  }
0xb3: {  	[tilespmem:v11+s12+$0x0] =	vst.idx.msk $0xffff, v10  }
0xb4: {  	v10 =	vld.idx.msk [tilespmem:v4+s12+$0x0], $0x1f;
	_ =	sdelay $0x4  }
0xb5: {  	v10 =	vadd.f32 v10, v5;
	_ =	sdelay $0x1  }
0xb6: {  	v10 =	vadd.f32 $-1.000000000e+00, v10;
	_ =	sdelay $0x1  }
0xb7: {  	v11 =	vadd.f32 $-2.000000000e+00, v10  }
0xb8: {  	vm15 =	vgt.f32 v10, $1.000000000e+00  }
0xb9: {  	v10 =	vsel vm15, v11, v10  }
0xba: {  	[tilespmem:v4+s12+$0x0] =	vst.idx.msk $0x1f, v10  }
0xbb: {  	[hbm4b:s6+s10] =	stream.strided.scatter [tilespmem:s12], [sflag:$0x3], $0x4000, s11, s10, $0x38;
	[tilespmem:$0x8080] =	vst v63  }
0xbc: {  	_ =	swait.ge [sflag:s15], $0x4000  }
0xbd: {  	[sflag:s15] =	ssyncset.done $0x0  }
0xbe: {  	[sflag:s15] =	ssyncadd.s32 $0xFFFFC000  }
0xbf: {  	v11 =	vld.idx.msk [tilespmem:v6+s13+$0x0], $0xffff;
	_ =	sdelay $0x4  }
0xc0: {  	v10 =	vadd.s32 $0x30, v0;
	v11 =	vadd.f32 v11, v5  }
0xc1: {  	s19 =	simm.s32 $0x53;
	v12 =	vshll.u32 v10, $0x2  }
.LBB2_10:
0xc2: {  	p0 =	sne.s32 s19, $0x1;
	v13 =	vand.u32 $0x7F, v10;
	v12 =	vand.u32 $0xFFFFFE00, v12;
	v11 =	vadd.f32 $-1.000000000e+00, v11  }
0xc3: {  	v12 =	vor.u32 v13, v12  }
0xc4: {  	v13 =	vadd.f32 $-2.000000000e+00, v11  }
0xc5: {  	vm0 =	vgt.f32 v11, $1.000000000e+00  }
0xc6: {  	v11 =	vsel vm0, v13, v11  }
0xc7: {  	[tilespmem:v6+s13+$0x0] =	vst.idx.msk $0xffff, v11;
	v6 =	vmov v12  }
0xc8: {  	v11 =	vld.idx.msk [tilespmem:v12+s13+$0x0], $0xffff;
	_ =	sdelay $0x2  }
.Ltmp4:
0xc9: {  	(pc) =	sbr.rel @p0 .LBB2_10-.Ltmp4, $3  }
0xca: {  	_ =	sdelay $0x1  }
0xcb: {  	v10 =	vadd.s32 $0x30, v10;
	v11 =	vadd.f32 v11, v5  }
0xcc: {  	s19 =	sadd.s32 $0xFFFFFFFF, s19;
	v12 =	vshll.u32 v10, $0x2  }
0xcd: {  	v10 =	vand.u32 $0x7F, v10;
	v12 =	vand.u32 $0xFFFFFE00, v12;
	v11 =	vadd.f32 $-1.000000000e+00, v11  }
0xce: {  	v10 =	vor.u32 v10, v12  }
0xcf: {  	v63 =	vadd.f32 $-2.000000000e+00, v11  }
0xd0: {  	vm0 =	vgt.f32 v11, $1.000000000e+00  }
0xd1: {  	v11 =	vsel vm0, v63, v11  }
0xd2: {  	[tilespmem:v6+s13+$0x0] =	vst.idx.msk $0xffff, v11  }
0xd3: {  	v6 =	vld.idx.msk [tilespmem:v10+s13+$0x0], $0xffff;
	_ =	sdelay $0x4  }
0xd4: {  	v6 =	vadd.f32 v6, v5;
	_ =	sdelay $0x1  }
0xd5: {  	v6 =	vadd.f32 $-1.000000000e+00, v6;
	_ =	sdelay $0x1  }
0xd6: {  	v11 =	vadd.f32 $-2.000000000e+00, v6  }
0xd7: {  	vm14 =	vgt.f32 v6, $1.000000000e+00  }
0xd8: {  	v6 =	vsel vm14, v11, v6  }
0xd9: {  	[tilespmem:v10+s13+$0x0] =	vst.idx.msk $0xffff, v6  }
0xda: {  	v6 =	vld.idx.msk [tilespmem:v1+s13+$0x0], $0x1f;
	_ =	sdelay $0x4  }
0xdb: {  	v6 =	vadd.f32 v6, v5;
	_ =	sdelay $0x1  }
0xdc: {  	v6 =	vadd.f32 $-1.000000000e+00, v6;
	_ =	sdelay $0x1  }
0xdd: {  	v10 =	vadd.f32 $-2.000000000e+00, v6  }
0xde: {  	vm15 =	vgt.f32 v6, $1.000000000e+00  }
0xdf: {  	v6 =	vsel vm15, v10, v6  }
0xe0: {  	[tilespmem:v1+s13+$0x0] =	vst.idx.msk $0x1f, v6  }
0xe1: {  	v10 =	vld.idx.msk [tilespmem:v7+s13+$0x0], $0xffff;
	_ =	sdelay $0x3  }
0xe2: {  	v6 =	vadd.s32 $0x30, v0  }
0xe3: {  	s19 =	simm.s32 $0x53;
	v11 =	vshll.u32 v6, $0x2;
	v10 =	vadd.f32 v10, v5  }
.LBB2_12:
0xe4: {  	p0 =	sne.s32 s19, $0x1;
	v12 =	vand.u32 $0x7F, v6;
	v11 =	vand.u32 $0xFFFFFE00, v11  }
0xe5: {  	v11 =	vor.u32 v11, v12;
	v10 =	vadd.f32 $-1.000000000e+00, v10  }
0xe6: {  	v11 =	vor.u32 $0x80, v11  }
0xe7: {  	v12 =	vadd.f32 $-2.000000000e+00, v10  }
0xe8: {  	vm0 =	vgt.f32 v10, $1.000000000e+00  }
0xe9: {  	v10 =	vsel vm0, v12, v10  }
0xea: {  	[tilespmem:v7+s13+$0x0] =	vst.idx.msk $0xffff, v10;
	v7 =	vmov v11  }
0xeb: {  	v10 =	vld.idx.msk [tilespmem:v11+s13+$0x0], $0xffff;
	_ =	sdelay $0x1  }
.Ltmp5:
0xec: {  	(pc) =	sbr.rel @p0 .LBB2_12-.Ltmp5, $3  }
0xed: {  	_ =	sdelay $0x1  }
0xee: {  	v6 =	vadd.s32 $0x30, v6  }
0xef: {  	s19 =	sadd.s32 $0xFFFFFFFF, s19;
	v11 =	vshll.u32 v6, $0x2;
	v10 =	vadd.f32 v10, v5  }
0xf0: {  	v6 =	vand.u32 $0x7F, v6;
	v11 =	vand.u32 $0xFFFFFE00, v11  }
0xf1: {  	v6 =	vor.u32 v11, v6;
	v10 =	vadd.f32 $-1.000000000e+00, v10  }
0xf2: {  	v6 =	vor.u32 $0x80, v6  }
0xf3: {  	v11 =	vadd.f32 $-2.000000000e+00, v10  }
0xf4: {  	vm0 =	vgt.f32 v10, $1.000000000e+00  }
0xf5: {  	v10 =	vsel vm0, v11, v10  }
0xf6: {  	[tilespmem:v7+s13+$0x0] =	vst.idx.msk $0xffff, v10  }
0xf7: {  	v7 =	vld.idx.msk [tilespmem:v6+s13+$0x0], $0xffff;
	_ =	sdelay $0x4  }
0xf8: {  	v7 =	vadd.f32 v7, v5;
	_ =	sdelay $0x1  }
0xf9: {  	v7 =	vadd.f32 $-1.000000000e+00, v7;
	_ =	sdelay $0x1  }
0xfa: {  	v10 =	vadd.f32 $-2.000000000e+00, v7  }
0xfb: {  	vm14 =	vgt.f32 v7, $1.000000000e+00  }
0xfc: {  	v7 =	vsel vm14, v10, v7  }
0xfd: {  	[tilespmem:v6+s13+$0x0] =	vst.idx.msk $0xffff, v7  }
0xfe: {  	v6 =	vld.idx.msk [tilespmem:v2+s13+$0x0], $0x1f;
	_ =	sdelay $0x4  }
0xff: {  	v6 =	vadd.f32 v6, v5;
	_ =	sdelay $0x1  }
0x100: {  	v6 =	vadd.f32 $-1.000000000e+00, v6;
	_ =	sdelay $0x1  }
0x101: {  	v7 =	vadd.f32 $-2.000000000e+00, v6  }
0x102: {  	vm15 =	vgt.f32 v6, $1.000000000e+00  }
0x103: {  	v6 =	vsel vm15, v7, v6  }
0x104: {  	[tilespmem:v2+s13+$0x0] =	vst.idx.msk $0x1f, v6  }
0x105: {  	v7 =	vld.idx.msk [tilespmem:v8+s13+$0x0], $0xffff;
	_ =	sdelay $0x3  }
0x106: {  	v6 =	vadd.s32 $0x30, v0  }
0x107: {  	s19 =	simm.s32 $0x53;
	v10 =	vshll.u32 v6, $0x2;
	v7 =	vadd.f32 v7, v5  }
.LBB2_14:
0x108: {  	p0 =	sne.s32 s19, $0x1;
	v11 =	vand.u32 $0x7F, v6;
	v10 =	vand.u32 $0xFFFFFE00, v10  }
0x109: {  	v10 =	vor.u32 v10, v11;
	v7 =	vadd.f32 $-1.000000000e+00, v7  }
0x10a: {  	v10 =	vor.u32 $0x100, v10  }
0x10b: {  	v11 =	vadd.f32 $-2.000000000e+00, v7  }
0x10c: {  	vm0 =	vgt.f32 v7, $1.000000000e+00  }
0x10d: {  	v7 =	vsel vm0, v11, v7  }
0x10e: {  	[tilespmem:v8+s13+$0x0] =	vst.idx.msk $0xffff, v7;
	v8 =	vmov v10  }
0x10f: {  	v7 =	vld.idx.msk [tilespmem:v10+s13+$0x0], $0xffff;
	_ =	sdelay $0x1  }
.Ltmp6:
0x110: {  	(pc) =	sbr.rel @p0 .LBB2_14-.Ltmp6, $3  }
0x111: {  	_ =	sdelay $0x1  }
0x112: {  	v6 =	vadd.s32 $0x30, v6  }
0x113: {  	s19 =	sadd.s32 $0xFFFFFFFF, s19;
	v10 =	vshll.u32 v6, $0x2;
	v7 =	vadd.f32 v7, v5  }
0x114: {  	v6 =	vand.u32 $0x7F, v6;
	v10 =	vand.u32 $0xFFFFFE00, v10  }
0x115: {  	v6 =	vor.u32 v10, v6;
	v7 =	vadd.f32 $-1.000000000e+00, v7  }
0x116: {  	v6 =	vor.u32 $0x100, v6  }
0x117: {  	v10 =	vadd.f32 $-2.000000000e+00, v7  }
0x118: {  	vm0 =	vgt.f32 v7, $1.000000000e+00  }
0x119: {  	v7 =	vsel vm0, v10, v7  }
0x11a: {  	[tilespmem:v8+s13+$0x0] =	vst.idx.msk $0xffff, v7  }
0x11b: {  	v7 =	vld.idx.msk [tilespmem:v6+s13+$0x0], $0xffff;
	_ =	sdelay $0x4  }
0x11c: {  	v7 =	vadd.f32 v7, v5;
	_ =	sdelay $0x1  }
0x11d: {  	v7 =	vadd.f32 $-1.000000000e+00, v7;
	_ =	sdelay $0x1  }
0x11e: {  	v8 =	vadd.f32 $-2.000000000e+00, v7  }
0x11f: {  	vm14 =	vgt.f32 v7, $1.000000000e+00  }
0x120: {  	v7 =	vsel vm14, v8, v7  }
0x121: {  	[tilespmem:v6+s13+$0x0] =	vst.idx.msk $0xffff, v7  }
0x122: {  	v6 =	vld.idx.msk [tilespmem:v3+s13+$0x0], $0x1f;
	_ =	sdelay $0x4  }
0x123: {  	v6 =	vadd.f32 v6, v5;
	_ =	sdelay $0x1  }
0x124: {  	v6 =	vadd.f32 $-1.000000000e+00, v6;
	_ =	sdelay $0x1  }
0x125: {  	v7 =	vadd.f32 $-2.000000000e+00, v6  }
0x126: {  	vm15 =	vgt.f32 v6, $1.000000000e+00  }
0x127: {  	v6 =	vsel vm15, v7, v6  }
0x128: {  	[tilespmem:v3+s13+$0x0] =	vst.idx.msk $0x1f, v6  }
0x129: {  	v7 =	vld.idx.msk [tilespmem:v9+s13+$0x0], $0xffff;
	_ =	sdelay $0x3  }
0x12a: {  	v6 =	vadd.s32 $0x30, v0  }
0x12b: {  	s19 =	simm.s32 $0x53;
	v8 =	vshll.u32 v6, $0x2;
	v7 =	vadd.f32 v7, v5  }
.LBB2_16:
0x12c: {  	p0 =	sne.s32 s19, $0x1;
	v10 =	vand.u32 $0x7F, v6;
	v8 =	vand.u32 $0xFFFFFE00, v8  }
0x12d: {  	v8 =	vor.u32 v8, v10;
	v7 =	vadd.f32 $-1.000000000e+00, v7  }
0x12e: {  	v8 =	vor.u32 $0x180, v8  }
0x12f: {  	v10 =	vadd.f32 $-2.000000000e+00, v7  }
0x130: {  	vm0 =	vgt.f32 v7, $1.000000000e+00  }
0x131: {  	v7 =	vsel vm0, v10, v7  }
0x132: {  	[tilespmem:v9+s13+$0x0] =	vst.idx.msk $0xffff, v7;
	v9 =	vmov v8  }
0x133: {  	v7 =	vld.idx.msk [tilespmem:v8+s13+$0x0], $0xffff;
	_ =	sdelay $0x1  }
.Ltmp7:
0x134: {  	(pc) =	sbr.rel @p0 .LBB2_16-.Ltmp7, $3  }
0x135: {  	_ =	sdelay $0x1  }
0x136: {  	v6 =	vadd.s32 $0x30, v6  }
0x137: {  	s19 =	sadd.s32 $0xFFFFFFFF, s19;
	v8 =	vshll.u32 v6, $0x2;
	v7 =	vadd.f32 v7, v5  }
0x138: {  	v6 =	vand.u32 $0x7F, v6;
	v8 =	vand.u32 $0xFFFFFE00, v8  }
0x139: {  	v6 =	vor.u32 v8, v6;
	v7 =	vadd.f32 $-1.000000000e+00, v7  }
0x13a: {  	v6 =	vor.u32 $0x180, v6  }
0x13b: {  	v62 =	vadd.f32 $-2.000000000e+00, v7  }
0x13c: {  	vm0 =	vgt.f32 v7, $1.000000000e+00  }
0x13d: {  	v7 =	vsel vm0, v62, v7  }
0x13e: {  	[tilespmem:v9+s13+$0x0] =	vst.idx.msk $0xffff, v7  }
0x13f: {  	v7 =	vld.idx.msk [tilespmem:v6+s13+$0x0], $0xffff;
	_ =	sdelay $0x4  }
0x140: {  	v7 =	vadd.f32 v7, v5;
	_ =	sdelay $0x1  }
0x141: {  	v7 =	vadd.f32 $-1.000000000e+00, v7;
	_ =	sdelay $0x1  }
0x142: {  	v63 =	vadd.f32 $-2.000000000e+00, v7  }
0x143: {  	vm14 =	vgt.f32 v7, $1.000000000e+00  }
0x144: {  	v7 =	vsel vm14, v63, v7  }
0x145: {  	[tilespmem:v6+s13+$0x0] =	vst.idx.msk $0xffff, v7  }
0x146: {  	v6 =	vld.idx.msk [tilespmem:v4+s13+$0x0], $0x1f;
	_ =	sdelay $0x4  }
0x147: {  	v5 =	vadd.f32 v6, v5;
	_ =	sdelay $0x1  }
0x148: {  	v5 =	vadd.f32 $-1.000000000e+00, v5;
	_ =	sdelay $0x1  }
0x149: {  	v6 =	vadd.f32 $-2.000000000e+00, v5  }
0x14a: {  	vm15 =	vgt.f32 v5, $1.000000000e+00  }
0x14b: {  	v5 =	vsel vm15, v6, v5  }
0x14c: {  	s18 =	sadd.s32 $0x1, s18;
	[tilespmem:v4+s13+$0x0] =	vst.idx.msk $0x1f, v5  }
0x14d: {  	[hbm4b:s7+s10] =	stream.strided.scatter [tilespmem:s13], [sflag:$0x4], $0x4000, s11, s10, $0x38;
	[tilespmem:$0x8080] =	vst v63  }
0x14e: {  	p0 =	sne.s32 s18, s8;
	_ =	swait.ge [sflag:s16], $0x4000  }
.Ltmp8:
0x14f: {  	[sflag:s16] =	ssyncset.done $0x0;
	(pc) =	sbr.rel @p0 .LBB2_1-.Ltmp8, $4  }
0x150: {  	[sflag:s16] =	ssyncadd.s32 $0xFFFFC000  }
0x151: {  	_ =	swait.ge [sflag:s17], $0x4000  }
0x152: {  	[sflag:s17] =	ssyncset.done $0x0  }
0x153: {  	[sflag:s17] =	ssyncadd.s32 $0xFFFFC000  }
0x154: {  	_ =	sfence.sel $0x180000  }
0x155: {  	[bflag:$0x0] =	sbarrier.arrive $0xFFFF  }
0x156: {  	p0 =	sne.s32 s1, $0x0;
	_ =	strace $0x90000047  }
0x157: {  	s0 =	sadd.s32 @!p0 $0x100000, s0;
	[bflag:$0x2] =	sbarrier.arrive $0xFFFF  }
0x158: {  	[sflag:s0] =	ssyncadd.tile.s32 @!p0 $0x1;
	_ =	shalt  }
.Lfunc_end2:
_tile_overlayer_lowered:
.L_overlay_start_2:
0x159: {  	(tag) =	ssettag $0x2  }
0x15a: {  	s0 =	rddreg [dreg:$0x0];
	s2 =	stileid.u32  }
0x15b: {  	s1 =	rddreg [dreg:$0x1];
	p0 =	sne.s32 s2, $0x0  }
0x15c: {  	s3 =	rddreg [dreg:$0x2];
	[bflag:$0x3] =	sbarrier.arrive $0xFFFF;
	s2 =	simm.s32 @!p0 $0x1C05  }
0x15d: {  	[timem:s3], [sflag:s2] =	dma.local @!p0 [hbm:s0], s1  }
0x15e: {  	s0 =	simm.s32 @!p0 $0x5  }
0x15f: {  	_ =	swait.ge @!p0 [sflag:s0], s1  }
0x160: {  	s1 =	ssub.s32 @!p0 $0x0, s1;
	[sflag:s0] =	ssyncset.done @!p0 $0x0  }
0x161: {  	[sflag:s0] =	ssyncadd.s32 @!p0 s1  }
0x162: {  	[bflag:$0x3] =	sbarrier.arrive $0xFFFF  }
0x163: {  	_ =	shalt  }

</sc_bundles>
